<compile_context>
chip_gen: v7x
topology: tpu7x:2x2x1
jax: 0.10.2.dev20260603
libtpu: 0.0.44.dev20260713+nightly
codegen_flags: <defaults>
</compile_context>

<pallas_src>
import functools

import jax
import jax.numpy as jnp
from jax import lax
from jax.experimental import pallas as pl
from jax.experimental.pallas import tpu as pltpu
from jax.experimental.pallas import tpu_sc as plsc

N_NODES = 10000
N_EDGES = 320000
D_IN = 128
D_OUT = 128

NC = 2
NS = 16

N_PAD = 10240
ROWS_PER_TILE = N_PAD // NS

EPT = 10000
CHUNK = 40
CPT = EPT // CHUNK
TAIL = EPT - CPT * CHUNK
NBUF = 5

CB_BLOCK = 1000


def _final_body(p_ref, w_ref, b_ref, out_ref):
    out_ref[...] = jnp.dot(p_ref[0] + p_ref[1], w_ref[...],
                           preferred_element_type=jnp.float32) + b_ref[...]


def _final(partials, W, b2d):
    return pl.pallas_call(
        _final_body,
        grid=(N_NODES // CB_BLOCK,),
        in_specs=[
            pl.BlockSpec((NC, CB_BLOCK, D_IN), lambda i: (0, i, 0)),
            pl.BlockSpec((D_IN, D_OUT), lambda i: (0, 0)),
            pl.BlockSpec((1, D_OUT), lambda i: (0, 0)),
        ],
        out_specs=pl.BlockSpec((CB_BLOCK, D_OUT), lambda i: (i, 0)),
        out_shape=jax.ShapeDtypeStruct((N_NODES, D_OUT), jnp.float32),
    )(partials, W, b2d)


def _sc_body(x_hbm, src_hbm, dst_hbm, part_hbm,
             sall, dall, r0, r1, r2, r3, r4, acc_sh,
             g0, g1, g2, g3, g4, s0, s1, s2, s3, s4, isem):
    rows = (r0, r1, r2, r3, r4)[:NBUF]
    gsem = (g0, g1, g2, g3, g4)[:NBUF]
    ssem = (s0, s1, s2, s3, s4)[:NBUF]
    cid = lax.axis_index("c")
    sid = lax.axis_index("s")
    wid = cid * NS + sid
    row0 = sid * ROWS_PER_TILE
    ebase = wid * EPT

    pltpu.async_copy(src_hbm.at[pl.ds(ebase, EPT)], sall, isem)
    pltpu.async_copy(dst_hbm.at[pl.ds(ebase, EPT)], dall, isem)

    zbuf = rows[0]
    zvec = jnp.zeros((16,), jnp.float32)

    def _zfill(t, _):
        zbuf[t // 8, pl.ds((t % 8) * 16, 16)] = zvec
        return 0

    lax.fori_loop(0, CHUNK * (D_OUT // 16), _zfill, 0)
    for k in range(ROWS_PER_TILE // CHUNK):
        pltpu.sync_copy(zbuf, acc_sh.at[pl.ds(row0 + k * CHUNK, CHUNK)])
    zrem = ROWS_PER_TILE % CHUNK
    if zrem:
        pltpu.sync_copy(
            zbuf.at[pl.ds(0, zrem)],
            acc_sh.at[pl.ds(row0 + (ROWS_PER_TILE // CHUNK) * CHUNK, zrem)])

    pltpu.make_async_copy(src_hbm.at[pl.ds(ebase, EPT)], sall, isem).wait()
    pltpu.make_async_copy(dst_hbm.at[pl.ds(ebase, EPT)], dall, isem).wait()
    plsc.subcore_barrier()

    def _sl(g):
        return pl.ds(lax.mul(g, CHUNK), CHUNK)

    def _gather(g, b):
        pltpu.async_copy(x_hbm.at[sall.at[_sl(g)]], rows[b], gsem[b])

    for b in range(NBUF):
        _gather(b, b)

    def _proc(g, b, refill):
        pltpu.make_async_copy(
            x_hbm.at[sall.at[_sl(g)]], rows[b], gsem[b]).wait()
        pltpu.async_copy(rows[b], acc_sh.at[dall.at[_sl(g)]], ssem[b],
                         add=True)
        if refill:
            @pl.when(g + NBUF < CPT)
            def _():
                pltpu.make_async_copy(
                    rows[b], acc_sh.at[dall.at[_sl(g)]], ssem[b]).wait()
                _gather(g + NBUF, b)
        else:
            pltpu.make_async_copy(
                rows[b], acc_sh.at[dall.at[_sl(g)]], ssem[b]).wait()

    def _step(t, _):
        for b in range(NBUF):
            _proc(t * NBUF + b, b, True)
        return 0

    lax.fori_loop(0, CPT // NBUF, _step, 0)
    for g in range((CPT // NBUF) * NBUF, CPT):
        _proc(g, g % NBUF, False)
    for g in range(max(0, CPT - NBUF), (CPT // NBUF) * NBUF):
        b = g % NBUF
        pltpu.make_async_copy(
            rows[b], acc_sh.at[dall.at[_sl(g)]], ssem[b]).wait()
    if TAIL:
        toff = pl.ds(CPT * CHUNK, TAIL)
        tbuf = rows[0].at[pl.ds(0, TAIL)]
        pltpu.async_copy(x_hbm.at[sall.at[toff]], tbuf, gsem[0])
        pltpu.make_async_copy(x_hbm.at[sall.at[toff]], tbuf, gsem[0]).wait()
        pltpu.sync_copy(tbuf, acc_sh.at[dall.at[toff]], add=True)
    plsc.subcore_barrier()

    pltpu.sync_copy(
        acc_sh.at[pl.ds(row0, ROWS_PER_TILE)],
        part_hbm.at[cid, pl.ds(row0, ROWS_PER_TILE)],
    )


_sc_aggregate = functools.partial(
    pl.kernel,
    out_type=jax.ShapeDtypeStruct((NC, N_PAD, D_OUT), jnp.float32),
    mesh=plsc.VectorSubcoreMesh(core_axis_name="c", subcore_axis_name="s"),
    scratch_types=[
        pltpu.VMEM((EPT,), jnp.int32),
        pltpu.VMEM((EPT,), jnp.int32),
        pltpu.VMEM((CHUNK, D_OUT), jnp.float32),
        pltpu.VMEM((CHUNK, D_OUT), jnp.float32),
        pltpu.VMEM((CHUNK, D_OUT), jnp.float32),
        pltpu.VMEM((CHUNK, D_OUT), jnp.float32),
        pltpu.VMEM((CHUNK, D_OUT), jnp.float32),
        pltpu.VMEM_SHARED((N_PAD, D_OUT), jnp.float32),
        pltpu.SemaphoreType.DMA,
        pltpu.SemaphoreType.DMA,
        pltpu.SemaphoreType.DMA,
        pltpu.SemaphoreType.DMA,
        pltpu.SemaphoreType.DMA,
        pltpu.SemaphoreType.DMA,
        pltpu.SemaphoreType.DMA,
        pltpu.SemaphoreType.DMA,
        pltpu.SemaphoreType.DMA,
        pltpu.SemaphoreType.DMA,
        pltpu.SemaphoreType.DMA,
    ],
)(_sc_body)


def kernel(x, adj, W, b):
    partials = _sc_aggregate(x, adj[0], adj[1])
    return _final(partials, W, b.reshape(1, D_OUT))

# --- scband reference (transcript-rebuilt; emitter-appended) ---
"""Pipeline reference for scband-graph-convolution-21440476741948 (READ-ONLY COPY).

The authoritative reference and input builder live on the scoring server;
editing this copy changes nothing except your own understanding.
"""

import jax, jax.numpy as jnp
import numpy as np

N_NODES = 10000
N_EDGES = 320000
D_IN = 128
D_OUT = 128


def setup_inputs(seed: int = 0) -> dict:
    key = jax.random.key(seed)
    k1, k2, k3 = jax.random.split(key, 3)
    x = jax.random.normal(k1, (N_NODES, D_IN), dtype=jnp.float32)
    adj = jax.random.randint(k2, (2, N_EDGES), 0, N_NODES, dtype=jnp.int32)
    # xavier_uniform init for W, zeros for b (matching reset_parameters)
    limit = float(np.sqrt(6.0 / (D_IN + D_OUT)))
    W = jax.random.uniform(k3, (D_IN, D_OUT), dtype=jnp.float32, minval=-limit, maxval=limit)
    b = jnp.zeros((D_OUT,), dtype=jnp.float32)
    return {"x": x, "adj": adj, "W": W, "b": b}


def reference(x, adj, W, b):
    # x = torch.mm(x, self.w)
    h = jnp.matmul(x, W)
    # x = matmul(adj, x): sparse adjacency matmul = gather messages from src, scatter-add to dst
    src = adj[0]
    dst = adj[1]
    msgs = jnp.take(h, src, axis=0)
    agg = jax.ops.segment_sum(msgs, dst, num_segments=N_NODES)
    # x = x + self.b
    return agg + b

if __name__ == "__main__":
    import jax
    _d = setup_inputs()
    print(jax.jit(kernel)(*tuple(_d.values())))

</pallas_src>

<mosaic_0001>
#map = affine_map<(d0, d1) -> (0, 0)>
#map1 = affine_map<(d0, d1) -> (0)>
#map2 = affine_map<(d0, d1) -> (0, 0, 0)>
module attributes {stable_mosaic.version = 14 : i64} {
  func.func @_sc_body(%arg0: i32, %arg1: i32, %arg2: memref<10000x128xf32, #tpu.memory_space<hbm>>, %arg3: memref<320000xi32, #tpu.memory_space<hbm>>, %arg4: memref<320000xi32, #tpu.memory_space<hbm>>, %arg5: memref<2x10240x128xf32, #tpu.memory_space<hbm>>, %arg6: memref<10000xi32, #tpu.memory_space<vmem>>, %arg7: memref<10000xi32, #tpu.memory_space<vmem>>, %arg8: memref<40x128xf32, #tpu.memory_space<vmem>>, %arg9: memref<40x128xf32, #tpu.memory_space<vmem>>, %arg10: memref<40x128xf32, #tpu.memory_space<vmem>>, %arg11: memref<40x128xf32, #tpu.memory_space<vmem>>, %arg12: memref<40x128xf32, #tpu.memory_space<vmem>>, %arg13: memref<10240x128xf32, #tpu.memory_space<vmem_shared>>, %arg14: memref<!tpu.dma_semaphore, #tpu.memory_space<semaphore_mem>>, %arg15: memref<!tpu.dma_semaphore, #tpu.memory_space<semaphore_mem>>, %arg16: memref<!tpu.dma_semaphore, #tpu.memory_space<semaphore_mem>>, %arg17: memref<!tpu.dma_semaphore, #tpu.memory_space<semaphore_mem>>, %arg18: memref<!tpu.dma_semaphore, #tpu.memory_space<semaphore_mem>>, %arg19: memref<!tpu.dma_semaphore, #tpu.memory_space<semaphore_mem>>, %arg20: memref<!tpu.dma_semaphore, #tpu.memory_space<semaphore_mem>>, %arg21: memref<!tpu.dma_semaphore, #tpu.memory_space<semaphore_mem>>, %arg22: memref<!tpu.dma_semaphore, #tpu.memory_space<semaphore_mem>>, %arg23: memref<!tpu.dma_semaphore, #tpu.memory_space<semaphore_mem>>, %arg24: memref<!tpu.dma_semaphore, #tpu.memory_space<semaphore_mem>>) attributes {dimension_semantics = [#tpu.dimension_semantics<core_parallel>, #tpu.dimension_semantics<subcore_parallel>], iteration_bounds = array<i64: 2, 16>, scalar_prefetch = 0 : i64, scratch_operands = 19 : i64, tpu.core_type = #tpu.core_type<sc_vector_subcore>, window_params = [{transform_indices = #map}, {transform_indices = #map1}, {transform_indices = #map1}, {transform_indices = #map2}]} {
    %mul3A = arith.constant 16 : i32
    %mul3A_0 = arith.muli %arg0, %mul3A : i32
    %add3A = arith.addi %mul3A_0, %arg1 : i32
    %mul3A_1 = arith.constant 640 : i32
    %mul3A_2 = arith.muli %arg1, %mul3A_1 : i32
    %mul3A_3 = arith.constant 10000 : i32
    %mul3A_4 = arith.muli %add3A, %mul3A_3 : i32
    %dma_start3A = tpu.memref_slice %arg3[%mul3A_4] : memref<320000xi32, #tpu.memory_space<hbm>> -> memref<10000xi32, #tpu.memory_space<hbm>>
    %dma_start3A_5 = tpu.memref_slice %arg3[%mul3A_4] : memref<320000xi32, #tpu.memory_space<hbm>> -> memref<10000xi32, #tpu.memory_space<hbm>>
    tpu.enqueue_dma source(%dma_start3A_5 : memref<10000xi32, #tpu.memory_space<hbm>>) target(%arg6 : memref<10000xi32, #tpu.memory_space<vmem>>) target_semaphore(%arg24 : memref<!tpu.dma_semaphore, #tpu.memory_space<semaphore_mem>>)
    %dma_start3A_6 = tpu.memref_slice %arg4[%mul3A_4] : memref<320000xi32, #tpu.memory_space<hbm>> -> memref<10000xi32, #tpu.memory_space<hbm>>
    %dma_start3A_7 = tpu.memref_slice %arg4[%mul3A_4] : memref<320000xi32, #tpu.memory_space<hbm>> -> memref<10000xi32, #tpu.memory_space<hbm>>
    tpu.enqueue_dma source(%dma_start3A_7 : memref<10000xi32, #tpu.memory_space<hbm>>) target(%arg7 : memref<10000xi32, #tpu.memory_space<vmem>>) target_semaphore(%arg24 : memref<!tpu.dma_semaphore, #tpu.memory_space<semaphore_mem>>)
    %broadcast_in_dim3A = arith.constant 0.000000e+00 : f32
    %broadcast_in_dim3A_8 = vector.broadcast %broadcast_in_dim3A : f32 to vector<16xf32>
    %scan3A = arith.constant 0 : i32
    %scan3A_9 = arith.constant 0 : i32
    %scan3A_10 = arith.constant 320 : i32
    %scan3A_11 = arith.addi %scan3A_9, %scan3A_10 : i32
    %scan3A_12 = arith.constant 1 : i32
    %scan3A_13 = scf.for %scan3A_128 = %scan3A_9 to %scan3A_11 step %scan3A_12 iter_args(%scan3A_129 = %scan3A) -> (i32)  : i32 {
      %jit3A = arith.constant 8 : i32
      %div3A = arith.divsi %scan3A_128, %jit3A : i32
      %sign3A = arith.constant 0 : i32
      %sign3A_130 = arith.cmpi sgt, %scan3A_128, %sign3A : i32
      %sign3A_131 = arith.extui %sign3A_130 : i1 to i32
      %sign3A_132 = arith.constant 0 : i32
      %sign3A_133 = arith.cmpi slt, %scan3A_128, %sign3A_132 : i32
      %sign3A_134 = arith.extui %sign3A_133 : i1 to i32
      %sign3A_135 = arith.subi %sign3A_131, %sign3A_134 : i32
      %sign3A_136 = arith.constant 0 : i32
      %sign3A_137 = arith.cmpi sgt, %jit3A, %sign3A_136 : i32
      %sign3A_138 = arith.extui %sign3A_137 : i1 to i32
      %sign3A_139 = arith.constant 0 : i32
      %sign3A_140 = arith.cmpi slt, %jit3A, %sign3A_139 : i32
      %sign3A_141 = arith.extui %sign3A_140 : i1 to i32
      %sign3A_142 = arith.subi %sign3A_138, %sign3A_141 : i32
      %ne3A = arith.cmpi ne, %sign3A_135, %sign3A_142 : i32
      %rem3A = arith.remsi %scan3A_128, %jit3A : i32
      %ne3A_143 = arith.constant 0 : i32
      %ne3A_144 = arith.cmpi ne, %rem3A, %ne3A_143 : i32
      %and3A = arith.andi %ne3A, %ne3A_144 : i1
      %sub3A = arith.constant 1 : i32
      %sub3A_145 = arith.subi %div3A, %sub3A : i32
      %select_n3A = arith.select %and3A, %sub3A_145, %div3A : i32
      %jit3A_146 = arith.constant 8 : i32
      %eq3A = arith.constant 0 : i32
      %eq3A_147 = arith.cmpi eq, %jit3A_146, %eq3A : i32
      %jit3A_148 = arith.constant 1 : i32
      %select_n3A_149 = arith.select %eq3A_147, %jit3A_148, %jit3A_146 : i32
      %rem3A_150 = arith.remsi %scan3A_128, %select_n3A_149 : i32
      %ne3A_151 = arith.constant 0 : i32
      %ne3A_152 = arith.cmpi ne, %rem3A_150, %ne3A_151 : i32
      %lt3A = arith.constant 0 : i32
      %lt3A_153 = arith.cmpi slt, %rem3A_150, %lt3A : i32
      %lt3A_154 = arith.constant 0 : i32
      %lt3A_155 = arith.cmpi slt, %select_n3A_149, %lt3A_154 : i32
      %ne3A_156 = arith.xori %lt3A_153, %lt3A_155 : i1
      %and3A_157 = arith.andi %ne3A_156, %ne3A_152 : i1
      %add3A_158 = arith.addi %rem3A_150, %select_n3A_149 : i32
      %select_n3A_159 = arith.select %and3A_157, %add3A_158, %rem3A_150 : i32
      %mul3A_160 = arith.constant 16 : i32
      %mul3A_161 = arith.muli %select_n3A_159, %mul3A_160 : i32
      %swap3A = arith.index_cast %select_n3A : i32 to index
      %swap3A_162 = arith.index_cast %mul3A_161 : i32 to index
      %swap3A_163 = tpu.vector_load %arg8[%swap3A, %swap3A_162] {strides = array<i32>} : memref<40x128xf32, #tpu.memory_space<vmem>>, vector<1x16xf32>,
      %swap3A_164 = vector.shape_cast %swap3A_163 : vector<1x16xf32> to vector<16xf32>
      %swap3A_165 = vector.shape_cast %broadcast_in_dim3A_8 : vector<16xf32> to vector<1x16xf32>
      tpu.vector_store %arg8[%swap3A, %swap3A_162], %swap3A_165 {strides = array<i32>} : memref<40x128xf32, #tpu.memory_space<vmem>>, vector<1x16xf32>,
      %scan3A_166 = arith.constant 0 : i32
      scf.yield %scan3A_166 : i32
    }
    %scan3A_14 = arith.constant 320 : i32
    %add3A_15 = arith.constant 0 : i32
    %add3A_16 = arith.addi %mul3A_2, %add3A_15 : i32
    "tpu.region"() ({
      %run_scoped3A = tpu.sem_alloc : memref<!tpu.dma_semaphore, #tpu.memory_space<semaphore_mem>>
      %dma_start3A_128 = arith.constant 0 : i32
      %dma_start3A_129 = tpu.memref_slice %arg13[%add3A_16, %dma_start3A_128] : memref<10240x128xf32, #tpu.memory_space<vmem_shared>> -> memref<40x128xf32, #tpu.memory_space<vmem_shared>>
      %dma_start3A_130 = arith.constant 0 : i32
      %dma_start3A_131 = tpu.memref_slice %arg13[%add3A_16, %dma_start3A_130] : memref<10240x128xf32, #tpu.memory_space<vmem_shared>> -> memref<40x128xf32, #tpu.memory_space<vmem_shared>>
      tpu.enqueue_dma source(%arg8 : memref<40x128xf32, #tpu.memory_space<vmem>>) target(%dma_start3A_131 : memref<40x128xf32, #tpu.memory_space<vmem_shared>>) target_semaphore(%run_scoped3A : memref<!tpu.dma_semaphore, #tpu.memory_space<semaphore_mem>>)
      %dma_wait3A_132 = arith.constant 0 : i32
      %dma_wait3A_133 = tpu.memref_slice %arg13[%add3A_16, %dma_wait3A_132] : memref<10240x128xf32, #tpu.memory_space<vmem_shared>> -> memref<40x128xf32, #tpu.memory_space<vmem_shared>>
      %dma_wait3A_134 = arith.constant 0 : i32
      %dma_wait3A_135 = tpu.memref_slice %arg13[%add3A_16, %dma_wait3A_134] : memref<10240x128xf32, #tpu.memory_space<vmem_shared>> -> memref<40x128xf32, #tpu.memory_space<vmem_shared>>
      tpu.wait_dma2 semaphore(%run_scoped3A : memref<!tpu.dma_semaphore, #tpu.memory_space<semaphore_mem>>) src(%arg8 : memref<40x128xf32, #tpu.memory_space<vmem>>) dst(%dma_wait3A_135 : memref<40x128xf32, #tpu.memory_space<vmem_shared>>)
      tpu.yield
    }) : () -> ()
    %add3A_17 = arith.constant 40 : i32
    %add3A_18 = arith.addi %mul3A_2, %add3A_17 : i32
    "tpu.region"() ({
      %run_scoped3A = tpu.sem_alloc : memref<!tpu.dma_semaphore, #tpu.memory_space<semaphore_mem>>
      %dma_start3A_128 = arith.constant 0 : i32
      %dma_start3A_129 = tpu.memref_slice %arg13[%add3A_18, %dma_start3A_128] : memref<10240x128xf32, #tpu.memory_space<vmem_shared>> -> memref<40x128xf32, #tpu.memory_space<vmem_shared>>
      %dma_start3A_130 = arith.constant 0 : i32
      %dma_start3A_131 = tpu.memref_slice %arg13[%add3A_18, %dma_start3A_130] : memref<10240x128xf32, #tpu.memory_space<vmem_shared>> -> memref<40x128xf32, #tpu.memory_space<vmem_shared>>
      tpu.enqueue_dma source(%arg8 : memref<40x128xf32, #tpu.memory_space<vmem>>) target(%dma_start3A_131 : memref<40x128xf32, #tpu.memory_space<vmem_shared>>) target_semaphore(%run_scoped3A : memref<!tpu.dma_semaphore, #tpu.memory_space<semaphore_mem>>)
      %dma_wait3A_132 = arith.constant 0 : i32
      %dma_wait3A_133 = tpu.memref_slice %arg13[%add3A_18, %dma_wait3A_132] : memref<10240x128xf32, #tpu.memory_space<vmem_shared>> -> memref<40x128xf32, #tpu.memory_space<vmem_shared>>
      %dma_wait3A_134 = arith.constant 0 : i32
      %dma_wait3A_135 = tpu.memref_slice %arg13[%add3A_18, %dma_wait3A_134] : memref<10240x128xf32, #tpu.memory_space<vmem_shared>> -> memref<40x128xf32, #tpu.memory_space<vmem_shared>>
      tpu.wait_dma2 semaphore(%run_scoped3A : memref<!tpu.dma_semaphore, #tpu.memory_space<semaphore_mem>>) src(%arg8 : memref<40x128xf32, #tpu.memory_space<vmem>>) dst(%dma_wait3A_135 : memref<40x128xf32, #tpu.memory_space<vmem_shared>>)
      tpu.yield
    }) : () -> ()
    %add3A_19 = arith.constant 80 : i32
    %add3A_20 = arith.addi %mul3A_2, %add3A_19 : i32
    "tpu.region"() ({
      %run_scoped3A = tpu.sem_alloc : memref<!tpu.dma_semaphore, #tpu.memory_space<semaphore_mem>>
      %dma_start3A_128 = arith.constant 0 : i32
      %dma_start3A_129 = tpu.memref_slice %arg13[%add3A_20, %dma_start3A_128] : memref<10240x128xf32, #tpu.memory_space<vmem_shared>> -> memref<40x128xf32, #tpu.memory_space<vmem_shared>>
      %dma_start3A_130 = arith.constant 0 : i32
      %dma_start3A_131 = tpu.memref_slice %arg13[%add3A_20, %dma_start3A_130] : memref<10240x128xf32, #tpu.memory_space<vmem_shared>> -> memref<40x128xf32, #tpu.memory_space<vmem_shared>>
      tpu.enqueue_dma source(%arg8 : memref<40x128xf32, #tpu.memory_space<vmem>>) target(%dma_start3A_131 : memref<40x128xf32, #tpu.memory_space<vmem_shared>>) target_semaphore(%run_scoped3A : memref<!tpu.dma_semaphore, #tpu.memory_space<semaphore_mem>>)
      %dma_wait3A_132 = arith.constant 0 : i32
      %dma_wait3A_133 = tpu.memref_slice %arg13[%add3A_20, %dma_wait3A_132] : memref<10240x128xf32, #tpu.memory_space<vmem_shared>> -> memref<40x128xf32, #tpu.memory_space<vmem_shared>>
      %dma_wait3A_134 = arith.constant 0 : i32
      %dma_wait3A_135 = tpu.memref_slice %arg13[%add3A_20, %dma_wait3A_134] : memref<10240x128xf32, #tpu.memory_space<vmem_shared>> -> memref<40x128xf32, #tpu.memory_space<vmem_shared>>
      tpu.wait_dma2 semaphore(%run_scoped3A : memref<!tpu.dma_semaphore, #tpu.memory_space<semaphore_mem>>) src(%arg8 : memref<40x128xf32, #tpu.memory_space<vmem>>) dst(%dma_wait3A_135 : memref<40x128xf32, #tpu.memory_space<vmem_shared>>)
      tpu.yield
    }) : () -> ()
    %add3A_21 = arith.constant 120 : i32
    %add3A_22 = arith.addi %mul3A_2, %add3A_21 : i32
    "tpu.region"() ({
      %run_scoped3A = tpu.sem_alloc : memref<!tpu.dma_semaphore, #tpu.memory_space<semaphore_mem>>
      %dma_start3A_128 = arith.constant 0 : i32
      %dma_start3A_129 = tpu.memref_slice %arg13[%add3A_22, %dma_start3A_128] : memref<10240x128xf32, #tpu.memory_space<vmem_shared>> -> memref<40x128xf32, #tpu.memory_space<vmem_shared>>
      %dma_start3A_130 = arith.constant 0 : i32
      %dma_start3A_131 = tpu.memref_slice %arg13[%add3A_22, %dma_start3A_130] : memref<10240x128xf32, #tpu.memory_space<vmem_shared>> -> memref<40x128xf32, #tpu.memory_space<vmem_shared>>
      tpu.enqueue_dma source(%arg8 : memref<40x128xf32, #tpu.memory_space<vmem>>) target(%dma_start3A_131 : memref<40x128xf32, #tpu.memory_space<vmem_shared>>) target_semaphore(%run_scoped3A : memref<!tpu.dma_semaphore, #tpu.memory_space<semaphore_mem>>)
      %dma_wait3A_132 = arith.constant 0 : i32
      %dma_wait3A_133 = tpu.memref_slice %arg13[%add3A_22, %dma_wait3A_132] : memref<10240x128xf32, #tpu.memory_space<vmem_shared>> -> memref<40x128xf32, #tpu.memory_space<vmem_shared>>
      %dma_wait3A_134 = arith.constant 0 : i32
      %dma_wait3A_135 = tpu.memref_slice %arg13[%add3A_22, %dma_wait3A_134] : memref<10240x128xf32, #tpu.memory_space<vmem_shared>> -> memref<40x128xf32, #tpu.memory_space<vmem_shared>>
      tpu.wait_dma2 semaphore(%run_scoped3A : memref<!tpu.dma_semaphore, #tpu.memory_space<semaphore_mem>>) src(%arg8 : memref<40x128xf32, #tpu.memory_space<vmem>>) dst(%dma_wait3A_135 : memref<40x128xf32, #tpu.memory_space<vmem_shared>>)
      tpu.yield
    }) : () -> ()
    %add3A_23 = arith.constant 160 : i32
    %add3A_24 = arith.addi %mul3A_2, %add3A_23 : i32
    "tpu.region"() ({
      %run_scoped3A = tpu.sem_alloc : memref<!tpu.dma_semaphore, #tpu.memory_space<semaphore_mem>>
      %dma_start3A_128 = arith.constant 0 : i32
      %dma_start3A_129 = tpu.memref_slice %arg13[%add3A_24, %dma_start3A_128] : memref<10240x128xf32, #tpu.memory_space<vmem_shared>> -> memref<40x128xf32, #tpu.memory_space<vmem_shared>>
      %dma_start3A_130 = arith.constant 0 : i32
      %dma_start3A_131 = tpu.memref_slice %arg13[%add3A_24, %dma_start3A_130] : memref<10240x128xf32, #tpu.memory_space<vmem_shared>> -> memref<40x128xf32, #tpu.memory_space<vmem_shared>>
      tpu.enqueue_dma source(%arg8 : memref<40x128xf32, #tpu.memory_space<vmem>>) target(%dma_start3A_131 : memref<40x128xf32, #tpu.memory_space<vmem_shared>>) target_semaphore(%run_scoped3A : memref<!tpu.dma_semaphore, #tpu.memory_space<semaphore_mem>>)
      %dma_wait3A_132 = arith.constant 0 : i32
      %dma_wait3A_133 = tpu.memref_slice %arg13[%add3A_24, %dma_wait3A_132] : memref<10240x128xf32, #tpu.memory_space<vmem_shared>> -> memref<40x128xf32, #tpu.memory_space<vmem_shared>>
      %dma_wait3A_134 = arith.constant 0 : i32
      %dma_wait3A_135 = tpu.memref_slice %arg13[%add3A_24, %dma_wait3A_134] : memref<10240x128xf32, #tpu.memory_space<vmem_shared>> -> memref<40x128xf32, #tpu.memory_space<vmem_shared>>
      tpu.wait_dma2 semaphore(%run_scoped3A : memref<!tpu.dma_semaphore, #tpu.memory_space<semaphore_mem>>) src(%arg8 : memref<40x128xf32, #tpu.memory_space<vmem>>) dst(%dma_wait3A_135 : memref<40x128xf32, #tpu.memory_space<vmem_shared>>)
      tpu.yield
    }) : () -> ()
    %add3A_25 = arith.constant 200 : i32
    %add3A_26 = arith.addi %mul3A_2, %add3A_25 : i32
    "tpu.region"() ({
      %run_scoped3A = tpu.sem_alloc : memref<!tpu.dma_semaphore, #tpu.memory_space<semaphore_mem>>
      %dma_start3A_128 = arith.constant 0 : i32
      %dma_start3A_129 = tpu.memref_slice %arg13[%add3A_26, %dma_start3A_128] : memref<10240x128xf32, #tpu.memory_space<vmem_shared>> -> memref<40x128xf32, #tpu.memory_space<vmem_shared>>
      %dma_start3A_130 = arith.constant 0 : i32
      %dma_start3A_131 = tpu.memref_slice %arg13[%add3A_26, %dma_start3A_130] : memref<10240x128xf32, #tpu.memory_space<vmem_shared>> -> memref<40x128xf32, #tpu.memory_space<vmem_shared>>
      tpu.enqueue_dma source(%arg8 : memref<40x128xf32, #tpu.memory_space<vmem>>) target(%dma_start3A_131 : memref<40x128xf32, #tpu.memory_space<vmem_shared>>) target_semaphore(%run_scoped3A : memref<!tpu.dma_semaphore, #tpu.memory_space<semaphore_mem>>)
      %dma_wait3A_132 = arith.constant 0 : i32
      %dma_wait3A_133 = tpu.memref_slice %arg13[%add3A_26, %dma_wait3A_132] : memref<10240x128xf32, #tpu.memory_space<vmem_shared>> -> memref<40x128xf32, #tpu.memory_space<vmem_shared>>
      %dma_wait3A_134 = arith.constant 0 : i32
      %dma_wait3A_135 = tpu.memref_slice %arg13[%add3A_26, %dma_wait3A_134] : memref<10240x128xf32, #tpu.memory_space<vmem_shared>> -> memref<40x128xf32, #tpu.memory_space<vmem_shared>>
      tpu.wait_dma2 semaphore(%run_scoped3A : memref<!tpu.dma_semaphore, #tpu.memory_space<semaphore_mem>>) src(%arg8 : memref<40x128xf32, #tpu.memory_space<vmem>>) dst(%dma_wait3A_135 : memref<40x128xf32, #tpu.memory_space<vmem_shared>>)
      tpu.yield
    }) : () -> ()
    %add3A_27 = arith.constant 240 : i32
    %add3A_28 = arith.addi %mul3A_2, %add3A_27 : i32
    "tpu.region"() ({
      %run_scoped3A = tpu.sem_alloc : memref<!tpu.dma_semaphore, #tpu.memory_space<semaphore_mem>>
      %dma_start3A_128 = arith.constant 0 : i32
      %dma_start3A_129 = tpu.memref_slice %arg13[%add3A_28, %dma_start3A_128] : memref<10240x128xf32, #tpu.memory_space<vmem_shared>> -> memref<40x128xf32, #tpu.memory_space<vmem_shared>>
      %dma_start3A_130 = arith.constant 0 : i32
      %dma_start3A_131 = tpu.memref_slice %arg13[%add3A_28, %dma_start3A_130] : memref<10240x128xf32, #tpu.memory_space<vmem_shared>> -> memref<40x128xf32, #tpu.memory_space<vmem_shared>>
      tpu.enqueue_dma source(%arg8 : memref<40x128xf32, #tpu.memory_space<vmem>>) target(%dma_start3A_131 : memref<40x128xf32, #tpu.memory_space<vmem_shared>>) target_semaphore(%run_scoped3A : memref<!tpu.dma_semaphore, #tpu.memory_space<semaphore_mem>>)
      %dma_wait3A_132 = arith.constant 0 : i32
      %dma_wait3A_133 = tpu.memref_slice %arg13[%add3A_28, %dma_wait3A_132] : memref<10240x128xf32, #tpu.memory_space<vmem_shared>> -> memref<40x128xf32, #tpu.memory_space<vmem_shared>>
      %dma_wait3A_134 = arith.constant 0 : i32
      %dma_wait3A_135 = tpu.memref_slice %arg13[%add3A_28, %dma_wait3A_134] : memref<10240x128xf32, #tpu.memory_space<vmem_shared>> -> memref<40x128xf32, #tpu.memory_space<vmem_shared>>
      tpu.wait_dma2 semaphore(%run_scoped3A : memref<!tpu.dma_semaphore, #tpu.memory_space<semaphore_mem>>) src(%arg8 : memref<40x128xf32, #tpu.memory_space<vmem>>) dst(%dma_wait3A_135 : memref<40x128xf32, #tpu.memory_space<vmem_shared>>)
      tpu.yield
    }) : () -> ()
    %add3A_29 = arith.constant 280 : i32
    %add3A_30 = arith.addi %mul3A_2, %add3A_29 : i32
    "tpu.region"() ({
      %run_scoped3A = tpu.sem_alloc : memref<!tpu.dma_semaphore, #tpu.memory_space<semaphore_mem>>
      %dma_start3A_128 = arith.constant 0 : i32
      %dma_start3A_129 = tpu.memref_slice %arg13[%add3A_30, %dma_start3A_128] : memref<10240x128xf32, #tpu.memory_space<vmem_shared>> -> memref<40x128xf32, #tpu.memory_space<vmem_shared>>
      %dma_start3A_130 = arith.constant 0 : i32
      %dma_start3A_131 = tpu.memref_slice %arg13[%add3A_30, %dma_start3A_130] : memref<10240x128xf32, #tpu.memory_space<vmem_shared>> -> memref<40x128xf32, #tpu.memory_space<vmem_shared>>
      tpu.enqueue_dma source(%arg8 : memref<40x128xf32, #tpu.memory_space<vmem>>) target(%dma_start3A_131 : memref<40x128xf32, #tpu.memory_space<vmem_shared>>) target_semaphore(%run_scoped3A : memref<!tpu.dma_semaphore, #tpu.memory_space<semaphore_mem>>)
      %dma_wait3A_132 = arith.constant 0 : i32
      %dma_wait3A_133 = tpu.memref_slice %arg13[%add3A_30, %dma_wait3A_132] : memref<10240x128xf32, #tpu.memory_space<vmem_shared>> -> memref<40x128xf32, #tpu.memory_space<vmem_shared>>
      %dma_wait3A_134 = arith.constant 0 : i32
      %dma_wait3A_135 = tpu.memref_slice %arg13[%add3A_30, %dma_wait3A_134] : memref<10240x128xf32, #tpu.memory_space<vmem_shared>> -> memref<40x128xf32, #tpu.memory_space<vmem_shared>>
      tpu.wait_dma2 semaphore(%run_scoped3A : memref<!tpu.dma_semaphore, #tpu.memory_space<semaphore_mem>>) src(%arg8 : memref<40x128xf32, #tpu.memory_space<vmem>>) dst(%dma_wait3A_135 : memref<40x128xf32, #tpu.memory_space<vmem_shared>>)
      tpu.yield
    }) : () -> ()
    %add3A_31 = arith.constant 320 : i32
    %add3A_32 = arith.addi %mul3A_2, %add3A_31 : i32
    "tpu.region"() ({
      %run_scoped3A = tpu.sem_alloc : memref<!tpu.dma_semaphore, #tpu.memory_space<semaphore_mem>>
      %dma_start3A_128 = arith.constant 0 : i32
      %dma_start3A_129 = tpu.memref_slice %arg13[%add3A_32, %dma_start3A_128] : memref<10240x128xf32, #tpu.memory_space<vmem_shared>> -> memref<40x128xf32, #tpu.memory_space<vmem_shared>>
      %dma_start3A_130 = arith.constant 0 : i32
      %dma_start3A_131 = tpu.memref_slice %arg13[%add3A_32, %dma_start3A_130] : memref<10240x128xf32, #tpu.memory_space<vmem_shared>> -> memref<40x128xf32, #tpu.memory_space<vmem_shared>>
      tpu.enqueue_dma source(%arg8 : memref<40x128xf32, #tpu.memory_space<vmem>>) target(%dma_start3A_131 : memref<40x128xf32, #tpu.memory_space<vmem_shared>>) target_semaphore(%run_scoped3A : memref<!tpu.dma_semaphore, #tpu.memory_space<semaphore_mem>>)
      %dma_wait3A_132 = arith.constant 0 : i32
      %dma_wait3A_133 = tpu.memref_slice %arg13[%add3A_32, %dma_wait3A_132] : memref<10240x128xf32, #tpu.memory_space<vmem_shared>> -> memref<40x128xf32, #tpu.memory_space<vmem_shared>>
      %dma_wait3A_134 = arith.constant 0 : i32
      %dma_wait3A_135 = tpu.memref_slice %arg13[%add3A_32, %dma_wait3A_134] : memref<10240x128xf32, #tpu.memory_space<vmem_shared>> -> memref<40x128xf32, #tpu.memory_space<vmem_shared>>
      tpu.wait_dma2 semaphore(%run_scoped3A : memref<!tpu.dma_semaphore, #tpu.memory_space<semaphore_mem>>) src(%arg8 : memref<40x128xf32, #tpu.memory_space<vmem>>) dst(%dma_wait3A_135 : memref<40x128xf32, #tpu.memory_space<vmem_shared>>)
      tpu.yield
    }) : () -> ()
    %add3A_33 = arith.constant 360 : i32
    %add3A_34 = arith.addi %mul3A_2, %add3A_33 : i32
    "tpu.region"() ({
      %run_scoped3A = tpu.sem_alloc : memref<!tpu.dma_semaphore, #tpu.memory_space<semaphore_mem>>
      %dma_start3A_128 = arith.constant 0 : i32
      %dma_start3A_129 = tpu.memref_slice %arg13[%add3A_34, %dma_start3A_128] : memref<10240x128xf32, #tpu.memory_space<vmem_shared>> -> memref<40x128xf32, #tpu.memory_space<vmem_shared>>
      %dma_start3A_130 = arith.constant 0 : i32
      %dma_start3A_131 = tpu.memref_slice %arg13[%add3A_34, %dma_start3A_130] : memref<10240x128xf32, #tpu.memory_space<vmem_shared>> -> memref<40x128xf32, #tpu.memory_space<vmem_shared>>
      tpu.enqueue_dma source(%arg8 : memref<40x128xf32, #tpu.memory_space<vmem>>) target(%dma_start3A_131 : memref<40x128xf32, #tpu.memory_space<vmem_shared>>) target_semaphore(%run_scoped3A : memref<!tpu.dma_semaphore, #tpu.memory_space<semaphore_mem>>)
      %dma_wait3A_132 = arith.constant 0 : i32
      %dma_wait3A_133 = tpu.memref_slice %arg13[%add3A_34, %dma_wait3A_132] : memref<10240x128xf32, #tpu.memory_space<vmem_shared>> -> memref<40x128xf32, #tpu.memory_space<vmem_shared>>
      %dma_wait3A_134 = arith.constant 0 : i32
      %dma_wait3A_135 = tpu.memref_slice %arg13[%add3A_34, %dma_wait3A_134] : memref<10240x128xf32, #tpu.memory_space<vmem_shared>> -> memref<40x128xf32, #tpu.memory_space<vmem_shared>>
      tpu.wait_dma2 semaphore(%run_scoped3A : memref<!tpu.dma_semaphore, #tpu.memory_space<semaphore_mem>>) src(%arg8 : memref<40x128xf32, #tpu.memory_space<vmem>>) dst(%dma_wait3A_135 : memref<40x128xf32, #tpu.memory_space<vmem_shared>>)
      tpu.yield
    }) : () -> ()
    %add3A_35 = arith.constant 400 : i32
    %add3A_36 = arith.addi %mul3A_2, %add3A_35 : i32
    "tpu.region"() ({
      %run_scoped3A = tpu.sem_alloc : memref<!tpu.dma_semaphore, #tpu.memory_space<semaphore_mem>>
      %dma_start3A_128 = arith.constant 0 : i32
      %dma_start3A_129 = tpu.memref_slice %arg13[%add3A_36, %dma_start3A_128] : memref<10240x128xf32, #tpu.memory_space<vmem_shared>> -> memref<40x128xf32, #tpu.memory_space<vmem_shared>>
      %dma_start3A_130 = arith.constant 0 : i32
      %dma_start3A_131 = tpu.memref_slice %arg13[%add3A_36, %dma_start3A_130] : memref<10240x128xf32, #tpu.memory_space<vmem_shared>> -> memref<40x128xf32, #tpu.memory_space<vmem_shared>>
      tpu.enqueue_dma source(%arg8 : memref<40x128xf32, #tpu.memory_space<vmem>>) target(%dma_start3A_131 : memref<40x128xf32, #tpu.memory_space<vmem_shared>>) target_semaphore(%run_scoped3A : memref<!tpu.dma_semaphore, #tpu.memory_space<semaphore_mem>>)
      %dma_wait3A_132 = arith.constant 0 : i32
      %dma_wait3A_133 = tpu.memref_slice %arg13[%add3A_36, %dma_wait3A_132] : memref<10240x128xf32, #tpu.memory_space<vmem_shared>> -> memref<40x128xf32, #tpu.memory_space<vmem_shared>>
      %dma_wait3A_134 = arith.constant 0 : i32
      %dma_wait3A_135 = tpu.memref_slice %arg13[%add3A_36, %dma_wait3A_134] : memref<10240x128xf32, #tpu.memory_space<vmem_shared>> -> memref<40x128xf32, #tpu.memory_space<vmem_shared>>
      tpu.wait_dma2 semaphore(%run_scoped3A : memref<!tpu.dma_semaphore, #tpu.memory_space<semaphore_mem>>) src(%arg8 : memref<40x128xf32, #tpu.memory_space<vmem>>) dst(%dma_wait3A_135 : memref<40x128xf32, #tpu.memory_space<vmem_shared>>)
      tpu.yield
    }) : () -> ()
    %add3A_37 = arith.constant 440 : i32
    %add3A_38 = arith.addi %mul3A_2, %add3A_37 : i32
    "tpu.region"() ({
      %run_scoped3A = tpu.sem_alloc : memref<!tpu.dma_semaphore, #tpu.memory_space<semaphore_mem>>
      %dma_start3A_128 = arith.constant 0 : i32
      %dma_start3A_129 = tpu.memref_slice %arg13[%add3A_38, %dma_start3A_128] : memref<10240x128xf32, #tpu.memory_space<vmem_shared>> -> memref<40x128xf32, #tpu.memory_space<vmem_shared>>
      %dma_start3A_130 = arith.constant 0 : i32
      %dma_start3A_131 = tpu.memref_slice %arg13[%add3A_38, %dma_start3A_130] : memref<10240x128xf32, #tpu.memory_space<vmem_shared>> -> memref<40x128xf32, #tpu.memory_space<vmem_shared>>
      tpu.enqueue_dma source(%arg8 : memref<40x128xf32, #tpu.memory_space<vmem>>) target(%dma_start3A_131 : memref<40x128xf32, #tpu.memory_space<vmem_shared>>) target_semaphore(%run_scoped3A : memref<!tpu.dma_semaphore, #tpu.memory_space<semaphore_mem>>)
      %dma_wait3A_132 = arith.constant 0 : i32
      %dma_wait3A_133 = tpu.memref_slice %arg13[%add3A_38, %dma_wait3A_132] : memref<10240x128xf32, #tpu.memory_space<vmem_shared>> -> memref<40x128xf32, #tpu.memory_space<vmem_shared>>
      %dma_wait3A_134 = arith.constant 0 : i32
      %dma_wait3A_135 = tpu.memref_slice %arg13[%add3A_38, %dma_wait3A_134] : memref<10240x128xf32, #tpu.memory_space<vmem_shared>> -> memref<40x128xf32, #tpu.memory_space<vmem_shared>>
      tpu.wait_dma2 semaphore(%run_scoped3A : memref<!tpu.dma_semaphore, #tpu.memory_space<semaphore_mem>>) src(%arg8 : memref<40x128xf32, #tpu.memory_space<vmem>>) dst(%dma_wait3A_135 : memref<40x128xf32, #tpu.memory_space<vmem_shared>>)
      tpu.yield
    }) : () -> ()
    %add3A_39 = arith.constant 480 : i32
    %add3A_40 = arith.addi %mul3A_2, %add3A_39 : i32
    "tpu.region"() ({
      %run_scoped3A = tpu.sem_alloc : memref<!tpu.dma_semaphore, #tpu.memory_space<semaphore_mem>>
      %dma_start3A_128 = arith.constant 0 : i32
      %dma_start3A_129 = tpu.memref_slice %arg13[%add3A_40, %dma_start3A_128] : memref<10240x128xf32, #tpu.memory_space<vmem_shared>> -> memref<40x128xf32, #tpu.memory_space<vmem_shared>>
      %dma_start3A_130 = arith.constant 0 : i32
      %dma_start3A_131 = tpu.memref_slice %arg13[%add3A_40, %dma_start3A_130] : memref<10240x128xf32, #tpu.memory_space<vmem_shared>> -> memref<40x128xf32, #tpu.memory_space<vmem_shared>>
      tpu.enqueue_dma source(%arg8 : memref<40x128xf32, #tpu.memory_space<vmem>>) target(%dma_start3A_131 : memref<40x128xf32, #tpu.memory_space<vmem_shared>>) target_semaphore(%run_scoped3A : memref<!tpu.dma_semaphore, #tpu.memory_space<semaphore_mem>>)
      %dma_wait3A_132 = arith.constant 0 : i32
      %dma_wait3A_133 = tpu.memref_slice %arg13[%add3A_40, %dma_wait3A_132] : memref<10240x128xf32, #tpu.memory_space<vmem_shared>> -> memref<40x128xf32, #tpu.memory_space<vmem_shared>>
      %dma_wait3A_134 = arith.constant 0 : i32
      %dma_wait3A_135 = tpu.memref_slice %arg13[%add3A_40, %dma_wait3A_134] : memref<10240x128xf32, #tpu.memory_space<vmem_shared>> -> memref<40x128xf32, #tpu.memory_space<vmem_shared>>
      tpu.wait_dma2 semaphore(%run_scoped3A : memref<!tpu.dma_semaphore, #tpu.memory_space<semaphore_mem>>) src(%arg8 : memref<40x128xf32, #tpu.memory_space<vmem>>) dst(%dma_wait3A_135 : memref<40x128xf32, #tpu.memory_space<vmem_shared>>)
      tpu.yield
    }) : () -> ()
    %add3A_41 = arith.constant 520 : i32
    %add3A_42 = arith.addi %mul3A_2, %add3A_41 : i32
    "tpu.region"() ({
      %run_scoped3A = tpu.sem_alloc : memref<!tpu.dma_semaphore, #tpu.memory_space<semaphore_mem>>
      %dma_start3A_128 = arith.constant 0 : i32
      %dma_start3A_129 = tpu.memref_slice %arg13[%add3A_42, %dma_start3A_128] : memref<10240x128xf32, #tpu.memory_space<vmem_shared>> -> memref<40x128xf32, #tpu.memory_space<vmem_shared>>
      %dma_start3A_130 = arith.constant 0 : i32
      %dma_start3A_131 = tpu.memref_slice %arg13[%add3A_42, %dma_start3A_130] : memref<10240x128xf32, #tpu.memory_space<vmem_shared>> -> memref<40x128xf32, #tpu.memory_space<vmem_shared>>
      tpu.enqueue_dma source(%arg8 : memref<40x128xf32, #tpu.memory_space<vmem>>) target(%dma_start3A_131 : memref<40x128xf32, #tpu.memory_space<vmem_shared>>) target_semaphore(%run_scoped3A : memref<!tpu.dma_semaphore, #tpu.memory_space<semaphore_mem>>)
      %dma_wait3A_132 = arith.constant 0 : i32
      %dma_wait3A_133 = tpu.memref_slice %arg13[%add3A_42, %dma_wait3A_132] : memref<10240x128xf32, #tpu.memory_space<vmem_shared>> -> memref<40x128xf32, #tpu.memory_space<vmem_shared>>
      %dma_wait3A_134 = arith.constant 0 : i32
      %dma_wait3A_135 = tpu.memref_slice %arg13[%add3A_42, %dma_wait3A_134] : memref<10240x128xf32, #tpu.memory_space<vmem_shared>> -> memref<40x128xf32, #tpu.memory_space<vmem_shared>>
      tpu.wait_dma2 semaphore(%run_scoped3A : memref<!tpu.dma_semaphore, #tpu.memory_space<semaphore_mem>>) src(%arg8 : memref<40x128xf32, #tpu.memory_space<vmem>>) dst(%dma_wait3A_135 : memref<40x128xf32, #tpu.memory_space<vmem_shared>>)
      tpu.yield
    }) : () -> ()
    %add3A_43 = arith.constant 560 : i32
    %add3A_44 = arith.addi %mul3A_2, %add3A_43 : i32
    "tpu.region"() ({
      %run_scoped3A = tpu.sem_alloc : memref<!tpu.dma_semaphore, #tpu.memory_space<semaphore_mem>>
      %dma_start3A_128 = arith.constant 0 : i32
      %dma_start3A_129 = tpu.memref_slice %arg13[%add3A_44, %dma_start3A_128] : memref<10240x128xf32, #tpu.memory_space<vmem_shared>> -> memref<40x128xf32, #tpu.memory_space<vmem_shared>>
      %dma_start3A_130 = arith.constant 0 : i32
      %dma_start3A_131 = tpu.memref_slice %arg13[%add3A_44, %dma_start3A_130] : memref<10240x128xf32, #tpu.memory_space<vmem_shared>> -> memref<40x128xf32, #tpu.memory_space<vmem_shared>>
      tpu.enqueue_dma source(%arg8 : memref<40x128xf32, #tpu.memory_space<vmem>>) target(%dma_start3A_131 : memref<40x128xf32, #tpu.memory_space<vmem_shared>>) target_semaphore(%run_scoped3A : memref<!tpu.dma_semaphore, #tpu.memory_space<semaphore_mem>>)
      %dma_wait3A_132 = arith.constant 0 : i32
      %dma_wait3A_133 = tpu.memref_slice %arg13[%add3A_44, %dma_wait3A_132] : memref<10240x128xf32, #tpu.memory_space<vmem_shared>> -> memref<40x128xf32, #tpu.memory_space<vmem_shared>>
      %dma_wait3A_134 = arith.constant 0 : i32
      %dma_wait3A_135 = tpu.memref_slice %arg13[%add3A_44, %dma_wait3A_134] : memref<10240x128xf32, #tpu.memory_space<vmem_shared>> -> memref<40x128xf32, #tpu.memory_space<vmem_shared>>
      tpu.wait_dma2 semaphore(%run_scoped3A : memref<!tpu.dma_semaphore, #tpu.memory_space<semaphore_mem>>) src(%arg8 : memref<40x128xf32, #tpu.memory_space<vmem>>) dst(%dma_wait3A_135 : memref<40x128xf32, #tpu.memory_space<vmem_shared>>)
      tpu.yield
    }) : () -> ()
    %add3A_45 = arith.constant 600 : i32
    %add3A_46 = arith.addi %mul3A_2, %add3A_45 : i32
    "tpu.region"() ({
      %run_scoped3A = tpu.sem_alloc : memref<!tpu.dma_semaphore, #tpu.memory_space<semaphore_mem>>
      %dma_start3A_128 = arith.constant 0 : i32
      %dma_start3A_129 = tpu.memref_slice %arg13[%add3A_46, %dma_start3A_128] : memref<10240x128xf32, #tpu.memory_space<vmem_shared>> -> memref<40x128xf32, #tpu.memory_space<vmem_shared>>
      %dma_start3A_130 = arith.constant 0 : i32
      %dma_start3A_131 = tpu.memref_slice %arg13[%add3A_46, %dma_start3A_130] : memref<10240x128xf32, #tpu.memory_space<vmem_shared>> -> memref<40x128xf32, #tpu.memory_space<vmem_shared>>
      tpu.enqueue_dma source(%arg8 : memref<40x128xf32, #tpu.memory_space<vmem>>) target(%dma_start3A_131 : memref<40x128xf32, #tpu.memory_space<vmem_shared>>) target_semaphore(%run_scoped3A : memref<!tpu.dma_semaphore, #tpu.memory_space<semaphore_mem>>)
      %dma_wait3A_132 = arith.constant 0 : i32
      %dma_wait3A_133 = tpu.memref_slice %arg13[%add3A_46, %dma_wait3A_132] : memref<10240x128xf32, #tpu.memory_space<vmem_shared>> -> memref<40x128xf32, #tpu.memory_space<vmem_shared>>
      %dma_wait3A_134 = arith.constant 0 : i32
      %dma_wait3A_135 = tpu.memref_slice %arg13[%add3A_46, %dma_wait3A_134] : memref<10240x128xf32, #tpu.memory_space<vmem_shared>> -> memref<40x128xf32, #tpu.memory_space<vmem_shared>>
      tpu.wait_dma2 semaphore(%run_scoped3A : memref<!tpu.dma_semaphore, #tpu.memory_space<semaphore_mem>>) src(%arg8 : memref<40x128xf32, #tpu.memory_space<vmem>>) dst(%dma_wait3A_135 : memref<40x128xf32, #tpu.memory_space<vmem_shared>>)
      tpu.yield
    }) : () -> ()
    %dma_wait3A = tpu.memref_slice %arg3[%mul3A_4] : memref<320000xi32, #tpu.memory_space<hbm>> -> memref<10000xi32, #tpu.memory_space<hbm>>
    %dma_wait3A_47 = tpu.memref_slice %arg3[%mul3A_4] : memref<320000xi32, #tpu.memory_space<hbm>> -> memref<10000xi32, #tpu.memory_space<hbm>>
    tpu.wait_dma2 semaphore(%arg24 : memref<!tpu.dma_semaphore, #tpu.memory_space<semaphore_mem>>) src(%dma_wait3A_47 : memref<10000xi32, #tpu.memory_space<hbm>>) dst(%arg6 : memref<10000xi32, #tpu.memory_space<vmem>>)
    %dma_wait3A_48 = tpu.memref_slice %arg4[%mul3A_4] : memref<320000xi32, #tpu.memory_space<hbm>> -> memref<10000xi32, #tpu.memory_space<hbm>>
    %dma_wait3A_49 = tpu.memref_slice %arg4[%mul3A_4] : memref<320000xi32, #tpu.memory_space<hbm>> -> memref<10000xi32, #tpu.memory_space<hbm>>
    tpu.wait_dma2 semaphore(%arg24 : memref<!tpu.dma_semaphore, #tpu.memory_space<semaphore_mem>>) src(%dma_wait3A_49 : memref<10000xi32, #tpu.memory_space<hbm>>) dst(%arg7 : memref<10000xi32, #tpu.memory_space<vmem>>)
    %barrier3A = arith.constant 0 : index
    tpu.barrier barrier_id(%barrier3A)
    %mul3A_50 = arith.constant 0 : i32
    %mul3A_51 = arith.constant 40 : i32
    %mul3A_52 = arith.muli %mul3A_50, %mul3A_51 : i32
    %dma_start3A_53 = tpu.memref_slice %arg6[%mul3A_52] : memref<10000xi32, #tpu.memory_space<vmem>> -> memref<40xi32, #tpu.memory_space<vmem>>
    %dma_start3A_54 = arith.constant 0 : i32
    %dma_start3A_55 = arith.constant 0 : i32
    %dma_start3A_56 = tpu.memref_slice %arg2[%dma_start3A_54, %dma_start3A_55] : memref<10000x128xf32, #tpu.memory_space<hbm>> -> memref<10000x128xf32, #tpu.memory_space<hbm>>
    tpu.enqueue_indirect_dma source(%dma_start3A_56 : memref<10000x128xf32, #tpu.memory_space<hbm>>) target(%arg8 : memref<40x128xf32, #tpu.memory_space<vmem>>) offsets(%dma_start3A_53 : memref<40xi32, #tpu.memory_space<vmem>>) semaphore(%arg14 : memref<!tpu.dma_semaphore, #tpu.memory_space<semaphore_mem>>)
    %mul3A_57 = arith.constant 1 : i32
    %mul3A_58 = arith.constant 40 : i32
    %mul3A_59 = arith.muli %mul3A_57, %mul3A_58 : i32
    %dma_start3A_60 = tpu.memref_slice %arg6[%mul3A_59] : memref<10000xi32, #tpu.memory_space<vmem>> -> memref<40xi32, #tpu.memory_space<vmem>>
    %dma_start3A_61 = arith.constant 0 : i32
    %dma_start3A_62 = arith.constant 0 : i32
    %dma_start3A_63 = tpu.memref_slice %arg2[%dma_start3A_61, %dma_start3A_62] : memref<10000x128xf32, #tpu.memory_space<hbm>> -> memref<10000x128xf32, #tpu.memory_space<hbm>>
    tpu.enqueue_indirect_dma source(%dma_start3A_63 : memref<10000x128xf32, #tpu.memory_space<hbm>>) target(%arg9 : memref<40x128xf32, #tpu.memory_space<vmem>>) offsets(%dma_start3A_60 : memref<40xi32, #tpu.memory_space<vmem>>) semaphore(%arg15 : memref<!tpu.dma_semaphore, #tpu.memory_space<semaphore_mem>>)
    %mul3A_64 = arith.constant 2 : i32
    %mul3A_65 = arith.constant 40 : i32
    %mul3A_66 = arith.muli %mul3A_64, %mul3A_65 : i32
    %dma_start3A_67 = tpu.memref_slice %arg6[%mul3A_66] : memref<10000xi32, #tpu.memory_space<vmem>> -> memref<40xi32, #tpu.memory_space<vmem>>
    %dma_start3A_68 = arith.constant 0 : i32
    %dma_start3A_69 = arith.constant 0 : i32
    %dma_start3A_70 = tpu.memref_slice %arg2[%dma_start3A_68, %dma_start3A_69] : memref<10000x128xf32, #tpu.memory_space<hbm>> -> memref<10000x128xf32, #tpu.memory_space<hbm>>
    tpu.enqueue_indirect_dma source(%dma_start3A_70 : memref<10000x128xf32, #tpu.memory_space<hbm>>) target(%arg10 : memref<40x128xf32, #tpu.memory_space<vmem>>) offsets(%dma_start3A_67 : memref<40xi32, #tpu.memory_space<vmem>>) semaphore(%arg16 : memref<!tpu.dma_semaphore, #tpu.memory_space<semaphore_mem>>)
    %mul3A_71 = arith.constant 3 : i32
    %mul3A_72 = arith.constant 40 : i32
    %mul3A_73 = arith.muli %mul3A_71, %mul3A_72 : i32
    %dma_start3A_74 = tpu.memref_slice %arg6[%mul3A_73] : memref<10000xi32, #tpu.memory_space<vmem>> -> memref<40xi32, #tpu.memory_space<vmem>>
    %dma_start3A_75 = arith.constant 0 : i32
    %dma_start3A_76 = arith.constant 0 : i32
    %dma_start3A_77 = tpu.memref_slice %arg2[%dma_start3A_75, %dma_start3A_76] : memref<10000x128xf32, #tpu.memory_space<hbm>> -> memref<10000x128xf32, #tpu.memory_space<hbm>>
    tpu.enqueue_indirect_dma source(%dma_start3A_77 : memref<10000x128xf32, #tpu.memory_space<hbm>>) target(%arg11 : memref<40x128xf32, #tpu.memory_space<vmem>>) offsets(%dma_start3A_74 : memref<40xi32, #tpu.memory_space<vmem>>) semaphore(%arg17 : memref<!tpu.dma_semaphore, #tpu.memory_space<semaphore_mem>>)
    %mul3A_78 = arith.constant 4 : i32
    %mul3A_79 = arith.constant 40 : i32
    %mul3A_80 = arith.muli %mul3A_78, %mul3A_79 : i32
    %dma_start3A_81 = tpu.memref_slice %arg6[%mul3A_80] : memref<10000xi32, #tpu.memory_space<vmem>> -> memref<40xi32, #tpu.memory_space<vmem>>
    %dma_start3A_82 = arith.constant 0 : i32
    %dma_start3A_83 = arith.constant 0 : i32
    %dma_start3A_84 = tpu.memref_slice %arg2[%dma_start3A_82, %dma_start3A_83] : memref<10000x128xf32, #tpu.memory_space<hbm>> -> memref<10000x128xf32, #tpu.memory_space<hbm>>
    tpu.enqueue_indirect_dma source(%dma_start3A_84 : memref<10000x128xf32, #tpu.memory_space<hbm>>) target(%arg12 : memref<40x128xf32, #tpu.memory_space<vmem>>) offsets(%dma_start3A_81 : memref<40xi32, #tpu.memory_space<vmem>>) semaphore(%arg18 : memref<!tpu.dma_semaphore, #tpu.memory_space<semaphore_mem>>)
    %scan3A_85 = arith.constant 0 : i32
    %scan3A_86 = arith.constant 0 : i32
    %scan3A_87 = arith.constant 50 : i32
    %scan3A_88 = arith.addi %scan3A_86, %scan3A_87 : i32
    %scan3A_89 = arith.constant 1 : i32
    %scan3A_90 = scf.for %scan3A_128 = %scan3A_86 to %scan3A_88 step %scan3A_89 iter_args(%scan3A_129 = %scan3A_85) -> (i32)  : i32 {
      %mul3A_130 = arith.constant 5 : i32
      %mul3A_131 = arith.muli %scan3A_128, %mul3A_130 : i32
      %add3A_132 = arith.constant 0 : i32
      %add3A_133 = arith.addi %mul3A_131, %add3A_132 : i32
      %mul3A_134 = arith.constant 40 : i32
      %mul3A_135 = arith.muli %add3A_133, %mul3A_134 : i32
      %dma_wait3A_136 = tpu.memref_slice %arg6[%mul3A_135] : memref<10000xi32, #tpu.memory_space<vmem>> -> memref<40xi32, #tpu.memory_space<vmem>>
      %dma_wait3A_137 = arith.constant 0 : i32
      %dma_wait3A_138 = arith.constant 0 : i32
      %dma_wait3A_139 = tpu.memref_slice %arg2[%dma_wait3A_137, %dma_wait3A_138] : memref<10000x128xf32, #tpu.memory_space<hbm>> -> memref<10000x128xf32, #tpu.memory_space<hbm>>
      tpu.wait_indirect_dma semaphore(%arg14 : memref<!tpu.dma_semaphore, #tpu.memory_space<semaphore_mem>>) src(%dma_wait3A_139 : memref<10000x128xf32, #tpu.memory_space<hbm>>) dst(%arg8 : memref<40x128xf32, #tpu.memory_space<vmem>>)
      %mul3A_140 = arith.constant 40 : i32
      %mul3A_141 = arith.muli %add3A_133, %mul3A_140 : i32
      %dma_start3A_142 = tpu.memref_slice %arg7[%mul3A_141] : memref<10000xi32, #tpu.memory_space<vmem>> -> memref<40xi32, #tpu.memory_space<vmem>>
      %dma_start3A_143 = arith.constant 0 : i32
      %dma_start3A_144 = arith.constant 0 : i32
      %dma_start3A_145 = tpu.memref_slice %arg13[%dma_start3A_143, %dma_start3A_144] : memref<10240x128xf32, #tpu.memory_space<vmem_shared>> -> memref<10240x128xf32, #tpu.memory_space<vmem_shared>>
      tpu.enqueue_indirect_dma source(%arg8 : memref<40x128xf32, #tpu.memory_space<vmem>>) target(%dma_start3A_145 : memref<10240x128xf32, #tpu.memory_space<vmem_shared>>) offsets(%dma_start3A_142 : memref<40xi32, #tpu.memory_space<vmem>>) semaphore(%arg19 : memref<!tpu.dma_semaphore, #tpu.memory_space<semaphore_mem>>) {add = true}
      %add3A_146 = arith.constant 5 : i32
      %add3A_147 = arith.addi %add3A_133, %add3A_146 : i32
      %lt3A = arith.constant 250 : i32
      %lt3A_148 = arith.cmpi slt, %add3A_147, %lt3A : i32
      %convert_element_type3A = arith.extui %lt3A_148 : i1 to i32
      %cond3A = arith.constant 0 : i32
      %cond3A_149 = arith.cmpi ne, %convert_element_type3A, %cond3A : i32
      scf.if %cond3A_149 {
        %mul3A_243 = arith.constant 40 : i32
        %mul3A_244 = arith.muli %add3A_133, %mul3A_243 : i32
        %dma_wait3A_245 = tpu.memref_slice %arg7[%mul3A_244] : memref<10000xi32, #tpu.memory_space<vmem>> -> memref<40xi32, #tpu.memory_space<vmem>>
        %dma_wait3A_246 = arith.constant 0 : i32
        %dma_wait3A_247 = arith.constant 0 : i32
        %dma_wait3A_248 = tpu.memref_slice %arg13[%dma_wait3A_246, %dma_wait3A_247] : memref<10240x128xf32, #tpu.memory_space<vmem_shared>> -> memref<10240x128xf32, #tpu.memory_space<vmem_shared>>
        tpu.wait_indirect_dma semaphore(%arg19 : memref<!tpu.dma_semaphore, #tpu.memory_space<semaphore_mem>>) src(%arg8 : memref<40x128xf32, #tpu.memory_space<vmem>>) dst(%dma_wait3A_248 : memref<10240x128xf32, #tpu.memory_space<vmem_shared>>)
        %add3A_249 = arith.constant 5 : i32
        %add3A_250 = arith.addi %add3A_133, %add3A_249 : i32
        %mul3A_251 = arith.constant 40 : i32
        %mul3A_252 = arith.muli %add3A_250, %mul3A_251 : i32
        %dma_start3A_253 = tpu.memref_slice %arg6[%mul3A_252] : memref<10000xi32, #tpu.memory_space<vmem>> -> memref<40xi32, #tpu.memory_space<vmem>>
        %dma_start3A_254 = arith.constant 0 : i32
        %dma_start3A_255 = arith.constant 0 : i32
        %dma_start3A_256 = tpu.memref_slice %arg2[%dma_start3A_254, %dma_start3A_255] : memref<10000x128xf32, #tpu.memory_space<hbm>> -> memref<10000x128xf32, #tpu.memory_space<hbm>>
        tpu.enqueue_indirect_dma source(%dma_start3A_256 : memref<10000x128xf32, #tpu.memory_space<hbm>>) target(%arg8 : memref<40x128xf32, #tpu.memory_space<vmem>>) offsets(%dma_start3A_253 : memref<40xi32, #tpu.memory_space<vmem>>) semaphore(%arg14 : memref<!tpu.dma_semaphore, #tpu.memory_space<semaphore_mem>>)
      } else {
      }
      %mul3A_150 = arith.constant 5 : i32
      %mul3A_151 = arith.muli %scan3A_128, %mul3A_150 : i32
      %add3A_152 = arith.constant 1 : i32
      %add3A_153 = arith.addi %mul3A_151, %add3A_152 : i32
      %mul3A_154 = arith.constant 40 : i32
      %mul3A_155 = arith.muli %add3A_153, %mul3A_154 : i32
      %dma_wait3A_156 = tpu.memref_slice %arg6[%mul3A_155] : memref<10000xi32, #tpu.memory_space<vmem>> -> memref<40xi32, #tpu.memory_space<vmem>>
      %dma_wait3A_157 = arith.constant 0 : i32
      %dma_wait3A_158 = arith.constant 0 : i32
      %dma_wait3A_159 = tpu.memref_slice %arg2[%dma_wait3A_157, %dma_wait3A_158] : memref<10000x128xf32, #tpu.memory_space<hbm>> -> memref<10000x128xf32, #tpu.memory_space<hbm>>
      tpu.wait_indirect_dma semaphore(%arg15 : memref<!tpu.dma_semaphore, #tpu.memory_space<semaphore_mem>>) src(%dma_wait3A_159 : memref<10000x128xf32, #tpu.memory_space<hbm>>) dst(%arg9 : memref<40x128xf32, #tpu.memory_space<vmem>>)
      %mul3A_160 = arith.constant 40 : i32
      %mul3A_161 = arith.muli %add3A_153, %mul3A_160 : i32
      %dma_start3A_162 = tpu.memref_slice %arg7[%mul3A_161] : memref<10000xi32, #tpu.memory_space<vmem>> -> memref<40xi32, #tpu.memory_space<vmem>>
      %dma_start3A_163 = arith.constant 0 : i32
      %dma_start3A_164 = arith.constant 0 : i32
      %dma_start3A_165 = tpu.memref_slice %arg13[%dma_start3A_163, %dma_start3A_164] : memref<10240x128xf32, #tpu.memory_space<vmem_shared>> -> memref<10240x128xf32, #tpu.memory_space<vmem_shared>>
      tpu.enqueue_indirect_dma source(%arg9 : memref<40x128xf32, #tpu.memory_space<vmem>>) target(%dma_start3A_165 : memref<10240x128xf32, #tpu.memory_space<vmem_shared>>) offsets(%dma_start3A_162 : memref<40xi32, #tpu.memory_space<vmem>>) semaphore(%arg20 : memref<!tpu.dma_semaphore, #tpu.memory_space<semaphore_mem>>) {add = true}
      %add3A_166 = arith.constant 5 : i32
      %add3A_167 = arith.addi %add3A_153, %add3A_166 : i32
      %lt3A_168 = arith.constant 250 : i32
      %lt3A_169 = arith.cmpi slt, %add3A_167, %lt3A_168 : i32
      %convert_element_type3A_170 = arith.extui %lt3A_169 : i1 to i32
      %cond3A_171 = arith.constant 0 : i32
      %cond3A_172 = arith.cmpi ne, %convert_element_type3A_170, %cond3A_171 : i32
      scf.if %cond3A_172 {
        %mul3A_243 = arith.constant 40 : i32
        %mul3A_244 = arith.muli %add3A_153, %mul3A_243 : i32
        %dma_wait3A_245 = tpu.memref_slice %arg7[%mul3A_244] : memref<10000xi32, #tpu.memory_space<vmem>> -> memref<40xi32, #tpu.memory_space<vmem>>
        %dma_wait3A_246 = arith.constant 0 : i32
        %dma_wait3A_247 = arith.constant 0 : i32
        %dma_wait3A_248 = tpu.memref_slice %arg13[%dma_wait3A_246, %dma_wait3A_247] : memref<10240x128xf32, #tpu.memory_space<vmem_shared>> -> memref<10240x128xf32, #tpu.memory_space<vmem_shared>>
        tpu.wait_indirect_dma semaphore(%arg20 : memref<!tpu.dma_semaphore, #tpu.memory_space<semaphore_mem>>) src(%arg9 : memref<40x128xf32, #tpu.memory_space<vmem>>) dst(%dma_wait3A_248 : memref<10240x128xf32, #tpu.memory_space<vmem_shared>>)
        %add3A_249 = arith.constant 5 : i32
        %add3A_250 = arith.addi %add3A_153, %add3A_249 : i32
        %mul3A_251 = arith.constant 40 : i32
        %mul3A_252 = arith.muli %add3A_250, %mul3A_251 : i32
        %dma_start3A_253 = tpu.memref_slice %arg6[%mul3A_252] : memref<10000xi32, #tpu.memory_space<vmem>> -> memref<40xi32, #tpu.memory_space<vmem>>
        %dma_start3A_254 = arith.constant 0 : i32
        %dma_start3A_255 = arith.constant 0 : i32
        %dma_start3A_256 = tpu.memref_slice %arg2[%dma_start3A_254, %dma_start3A_255] : memref<10000x128xf32, #tpu.memory_space<hbm>> -> memref<10000x128xf32, #tpu.memory_space<hbm>>
        tpu.enqueue_indirect_dma source(%dma_start3A_256 : memref<10000x128xf32, #tpu.memory_space<hbm>>) target(%arg9 : memref<40x128xf32, #tpu.memory_space<vmem>>) offsets(%dma_start3A_253 : memref<40xi32, #tpu.memory_space<vmem>>) semaphore(%arg15 : memref<!tpu.dma_semaphore, #tpu.memory_space<semaphore_mem>>)
      } else {
      }
      %mul3A_173 = arith.constant 5 : i32
      %mul3A_174 = arith.muli %scan3A_128, %mul3A_173 : i32
      %add3A_175 = arith.constant 2 : i32
      %add3A_176 = arith.addi %mul3A_174, %add3A_175 : i32
      %mul3A_177 = arith.constant 40 : i32
      %mul3A_178 = arith.muli %add3A_176, %mul3A_177 : i32
      %dma_wait3A_179 = tpu.memref_slice %arg6[%mul3A_178] : memref<10000xi32, #tpu.memory_space<vmem>> -> memref<40xi32, #tpu.memory_space<vmem>>
      %dma_wait3A_180 = arith.constant 0 : i32
      %dma_wait3A_181 = arith.constant 0 : i32
      %dma_wait3A_182 = tpu.memref_slice %arg2[%dma_wait3A_180, %dma_wait3A_181] : memref<10000x128xf32, #tpu.memory_space<hbm>> -> memref<10000x128xf32, #tpu.memory_space<hbm>>
      tpu.wait_indirect_dma semaphore(%arg16 : memref<!tpu.dma_semaphore, #tpu.memory_space<semaphore_mem>>) src(%dma_wait3A_182 : memref<10000x128xf32, #tpu.memory_space<hbm>>) dst(%arg10 : memref<40x128xf32, #tpu.memory_space<vmem>>)
      %mul3A_183 = arith.constant 40 : i32
      %mul3A_184 = arith.muli %add3A_176, %mul3A_183 : i32
      %dma_start3A_185 = tpu.memref_slice %arg7[%mul3A_184] : memref<10000xi32, #tpu.memory_space<vmem>> -> memref<40xi32, #tpu.memory_space<vmem>>
      %dma_start3A_186 = arith.constant 0 : i32
      %dma_start3A_187 = arith.constant 0 : i32
      %dma_start3A_188 = tpu.memref_slice %arg13[%dma_start3A_186, %dma_start3A_187] : memref<10240x128xf32, #tpu.memory_space<vmem_shared>> -> memref<10240x128xf32, #tpu.memory_space<vmem_shared>>
      tpu.enqueue_indirect_dma source(%arg10 : memref<40x128xf32, #tpu.memory_space<vmem>>) target(%dma_start3A_188 : memref<10240x128xf32, #tpu.memory_space<vmem_shared>>) offsets(%dma_start3A_185 : memref<40xi32, #tpu.memory_space<vmem>>) semaphore(%arg21 : memref<!tpu.dma_semaphore, #tpu.memory_space<semaphore_mem>>) {add = true}
      %add3A_189 = arith.constant 5 : i32
      %add3A_190 = arith.addi %add3A_176, %add3A_189 : i32
      %lt3A_191 = arith.constant 250 : i32
      %lt3A_192 = arith.cmpi slt, %add3A_190, %lt3A_191 : i32
      %convert_element_type3A_193 = arith.extui %lt3A_192 : i1 to i32
      %cond3A_194 = arith.constant 0 : i32
      %cond3A_195 = arith.cmpi ne, %convert_element_type3A_193, %cond3A_194 : i32
      scf.if %cond3A_195 {
        %mul3A_243 = arith.constant 40 : i32
        %mul3A_244 = arith.muli %add3A_176, %mul3A_243 : i32
        %dma_wait3A_245 = tpu.memref_slice %arg7[%mul3A_244] : memref<10000xi32, #tpu.memory_space<vmem>> -> memref<40xi32, #tpu.memory_space<vmem>>
        %dma_wait3A_246 = arith.constant 0 : i32
        %dma_wait3A_247 = arith.constant 0 : i32
        %dma_wait3A_248 = tpu.memref_slice %arg13[%dma_wait3A_246, %dma_wait3A_247] : memref<10240x128xf32, #tpu.memory_space<vmem_shared>> -> memref<10240x128xf32, #tpu.memory_space<vmem_shared>>
        tpu.wait_indirect_dma semaphore(%arg21 : memref<!tpu.dma_semaphore, #tpu.memory_space<semaphore_mem>>) src(%arg10 : memref<40x128xf32, #tpu.memory_space<vmem>>) dst(%dma_wait3A_248 : memref<10240x128xf32, #tpu.memory_space<vmem_shared>>)
        %add3A_249 = arith.constant 5 : i32
        %add3A_250 = arith.addi %add3A_176, %add3A_249 : i32
        %mul3A_251 = arith.constant 40 : i32
        %mul3A_252 = arith.muli %add3A_250, %mul3A_251 : i32
        %dma_start3A_253 = tpu.memref_slice %arg6[%mul3A_252] : memref<10000xi32, #tpu.memory_space<vmem>> -> memref<40xi32, #tpu.memory_space<vmem>>
        %dma_start3A_254 = arith.constant 0 : i32
        %dma_start3A_255 = arith.constant 0 : i32
        %dma_start3A_256 = tpu.memref_slice %arg2[%dma_start3A_254, %dma_start3A_255] : memref<10000x128xf32, #tpu.memory_space<hbm>> -> memref<10000x128xf32, #tpu.memory_space<hbm>>
        tpu.enqueue_indirect_dma source(%dma_start3A_256 : memref<10000x128xf32, #tpu.memory_space<hbm>>) target(%arg10 : memref<40x128xf32, #tpu.memory_space<vmem>>) offsets(%dma_start3A_253 : memref<40xi32, #tpu.memory_space<vmem>>) semaphore(%arg16 : memref<!tpu.dma_semaphore, #tpu.memory_space<semaphore_mem>>)
      } else {
      }
      %mul3A_196 = arith.constant 5 : i32
      %mul3A_197 = arith.muli %scan3A_128, %mul3A_196 : i32
      %add3A_198 = arith.constant 3 : i32
      %add3A_199 = arith.addi %mul3A_197, %add3A_198 : i32
      %mul3A_200 = arith.constant 40 : i32
      %mul3A_201 = arith.muli %add3A_199, %mul3A_200 : i32
      %dma_wait3A_202 = tpu.memref_slice %arg6[%mul3A_201] : memref<10000xi32, #tpu.memory_space<vmem>> -> memref<40xi32, #tpu.memory_space<vmem>>
      %dma_wait3A_203 = arith.constant 0 : i32
      %dma_wait3A_204 = arith.constant 0 : i32
      %dma_wait3A_205 = tpu.memref_slice %arg2[%dma_wait3A_203, %dma_wait3A_204] : memref<10000x128xf32, #tpu.memory_space<hbm>> -> memref<10000x128xf32, #tpu.memory_space<hbm>>
      tpu.wait_indirect_dma semaphore(%arg17 : memref<!tpu.dma_semaphore, #tpu.memory_space<semaphore_mem>>) src(%dma_wait3A_205 : memref<10000x128xf32, #tpu.memory_space<hbm>>) dst(%arg11 : memref<40x128xf32, #tpu.memory_space<vmem>>)
      %mul3A_206 = arith.constant 40 : i32
      %mul3A_207 = arith.muli %add3A_199, %mul3A_206 : i32
      %dma_start3A_208 = tpu.memref_slice %arg7[%mul3A_207] : memref<10000xi32, #tpu.memory_space<vmem>> -> memref<40xi32, #tpu.memory_space<vmem>>
      %dma_start3A_209 = arith.constant 0 : i32
      %dma_start3A_210 = arith.constant 0 : i32
      %dma_start3A_211 = tpu.memref_slice %arg13[%dma_start3A_209, %dma_start3A_210] : memref<10240x128xf32, #tpu.memory_space<vmem_shared>> -> memref<10240x128xf32, #tpu.memory_space<vmem_shared>>
      tpu.enqueue_indirect_dma source(%arg11 : memref<40x128xf32, #tpu.memory_space<vmem>>) target(%dma_start3A_211 : memref<10240x128xf32, #tpu.memory_space<vmem_shared>>) offsets(%dma_start3A_208 : memref<40xi32, #tpu.memory_space<vmem>>) semaphore(%arg22 : memref<!tpu.dma_semaphore, #tpu.memory_space<semaphore_mem>>) {add = true}
      %add3A_212 = arith.constant 5 : i32
      %add3A_213 = arith.addi %add3A_199, %add3A_212 : i32
      %lt3A_214 = arith.constant 250 : i32
      %lt3A_215 = arith.cmpi slt, %add3A_213, %lt3A_214 : i32
      %convert_element_type3A_216 = arith.extui %lt3A_215 : i1 to i32
      %cond3A_217 = arith.constant 0 : i32
      %cond3A_218 = arith.cmpi ne, %convert_element_type3A_216, %cond3A_217 : i32
      scf.if %cond3A_218 {
        %mul3A_243 = arith.constant 40 : i32
        %mul3A_244 = arith.muli %add3A_199, %mul3A_243 : i32
        %dma_wait3A_245 = tpu.memref_slice %arg7[%mul3A_244] : memref<10000xi32, #tpu.memory_space<vmem>> -> memref<40xi32, #tpu.memory_space<vmem>>
        %dma_wait3A_246 = arith.constant 0 : i32
        %dma_wait3A_247 = arith.constant 0 : i32
        %dma_wait3A_248 = tpu.memref_slice %arg13[%dma_wait3A_246, %dma_wait3A_247] : memref<10240x128xf32, #tpu.memory_space<vmem_shared>> -> memref<10240x128xf32, #tpu.memory_space<vmem_shared>>
        tpu.wait_indirect_dma semaphore(%arg22 : memref<!tpu.dma_semaphore, #tpu.memory_space<semaphore_mem>>) src(%arg11 : memref<40x128xf32, #tpu.memory_space<vmem>>) dst(%dma_wait3A_248 : memref<10240x128xf32, #tpu.memory_space<vmem_shared>>)
        %add3A_249 = arith.constant 5 : i32
        %add3A_250 = arith.addi %add3A_199, %add3A_249 : i32
        %mul3A_251 = arith.constant 40 : i32
        %mul3A_252 = arith.muli %add3A_250, %mul3A_251 : i32
        %dma_start3A_253 = tpu.memref_slice %arg6[%mul3A_252] : memref<10000xi32, #tpu.memory_space<vmem>> -> memref<40xi32, #tpu.memory_space<vmem>>
        %dma_start3A_254 = arith.constant 0 : i32
        %dma_start3A_255 = arith.constant 0 : i32
        %dma_start3A_256 = tpu.memref_slice %arg2[%dma_start3A_254, %dma_start3A_255] : memref<10000x128xf32, #tpu.memory_space<hbm>> -> memref<10000x128xf32, #tpu.memory_space<hbm>>
        tpu.enqueue_indirect_dma source(%dma_start3A_256 : memref<10000x128xf32, #tpu.memory_space<hbm>>) target(%arg11 : memref<40x128xf32, #tpu.memory_space<vmem>>) offsets(%dma_start3A_253 : memref<40xi32, #tpu.memory_space<vmem>>) semaphore(%arg17 : memref<!tpu.dma_semaphore, #tpu.memory_space<semaphore_mem>>)
      } else {
      }
      %mul3A_219 = arith.constant 5 : i32
      %mul3A_220 = arith.muli %scan3A_128, %mul3A_219 : i32
      %add3A_221 = arith.constant 4 : i32
      %add3A_222 = arith.addi %mul3A_220, %add3A_221 : i32
      %mul3A_223 = arith.constant 40 : i32
      %mul3A_224 = arith.muli %add3A_222, %mul3A_223 : i32
      %dma_wait3A_225 = tpu.memref_slice %arg6[%mul3A_224] : memref<10000xi32, #tpu.memory_space<vmem>> -> memref<40xi32, #tpu.memory_space<vmem>>
      %dma_wait3A_226 = arith.constant 0 : i32
      %dma_wait3A_227 = arith.constant 0 : i32
      %dma_wait3A_228 = tpu.memref_slice %arg2[%dma_wait3A_226, %dma_wait3A_227] : memref<10000x128xf32, #tpu.memory_space<hbm>> -> memref<10000x128xf32, #tpu.memory_space<hbm>>
      tpu.wait_indirect_dma semaphore(%arg18 : memref<!tpu.dma_semaphore, #tpu.memory_space<semaphore_mem>>) src(%dma_wait3A_228 : memref<10000x128xf32, #tpu.memory_space<hbm>>) dst(%arg12 : memref<40x128xf32, #tpu.memory_space<vmem>>)
      %mul3A_229 = arith.constant 40 : i32
      %mul3A_230 = arith.muli %add3A_222, %mul3A_229 : i32
      %dma_start3A_231 = tpu.memref_slice %arg7[%mul3A_230] : memref<10000xi32, #tpu.memory_space<vmem>> -> memref<40xi32, #tpu.memory_space<vmem>>
      %dma_start3A_232 = arith.constant 0 : i32
      %dma_start3A_233 = arith.constant 0 : i32
      %dma_start3A_234 = tpu.memref_slice %arg13[%dma_start3A_232, %dma_start3A_233] : memref<10240x128xf32, #tpu.memory_space<vmem_shared>> -> memref<10240x128xf32, #tpu.memory_space<vmem_shared>>
      tpu.enqueue_indirect_dma source(%arg12 : memref<40x128xf32, #tpu.memory_space<vmem>>) target(%dma_start3A_234 : memref<10240x128xf32, #tpu.memory_space<vmem_shared>>) offsets(%dma_start3A_231 : memref<40xi32, #tpu.memory_space<vmem>>) semaphore(%arg23 : memref<!tpu.dma_semaphore, #tpu.memory_space<semaphore_mem>>) {add = true}
      %add3A_235 = arith.constant 5 : i32
      %add3A_236 = arith.addi %add3A_222, %add3A_235 : i32
      %lt3A_237 = arith.constant 250 : i32
      %lt3A_238 = arith.cmpi slt, %add3A_236, %lt3A_237 : i32
      %convert_element_type3A_239 = arith.extui %lt3A_238 : i1 to i32
      %cond3A_240 = arith.constant 0 : i32
      %cond3A_241 = arith.cmpi ne, %convert_element_type3A_239, %cond3A_240 : i32
      scf.if %cond3A_241 {
        %mul3A_243 = arith.constant 40 : i32
        %mul3A_244 = arith.muli %add3A_222, %mul3A_243 : i32
        %dma_wait3A_245 = tpu.memref_slice %arg7[%mul3A_244] : memref<10000xi32, #tpu.memory_space<vmem>> -> memref<40xi32, #tpu.memory_space<vmem>>
        %dma_wait3A_246 = arith.constant 0 : i32
        %dma_wait3A_247 = arith.constant 0 : i32
        %dma_wait3A_248 = tpu.memref_slice %arg13[%dma_wait3A_246, %dma_wait3A_247] : memref<10240x128xf32, #tpu.memory_space<vmem_shared>> -> memref<10240x128xf32, #tpu.memory_space<vmem_shared>>
        tpu.wait_indirect_dma semaphore(%arg23 : memref<!tpu.dma_semaphore, #tpu.memory_space<semaphore_mem>>) src(%arg12 : memref<40x128xf32, #tpu.memory_space<vmem>>) dst(%dma_wait3A_248 : memref<10240x128xf32, #tpu.memory_space<vmem_shared>>)
        %add3A_249 = arith.constant 5 : i32
        %add3A_250 = arith.addi %add3A_222, %add3A_249 : i32
        %mul3A_251 = arith.constant 40 : i32
        %mul3A_252 = arith.muli %add3A_250, %mul3A_251 : i32
        %dma_start3A_253 = tpu.memref_slice %arg6[%mul3A_252] : memref<10000xi32, #tpu.memory_space<vmem>> -> memref<40xi32, #tpu.memory_space<vmem>>
        %dma_start3A_254 = arith.constant 0 : i32
        %dma_start3A_255 = arith.constant 0 : i32
        %dma_start3A_256 = tpu.memref_slice %arg2[%dma_start3A_254, %dma_start3A_255] : memref<10000x128xf32, #tpu.memory_space<hbm>> -> memref<10000x128xf32, #tpu.memory_space<hbm>>
        tpu.enqueue_indirect_dma source(%dma_start3A_256 : memref<10000x128xf32, #tpu.memory_space<hbm>>) target(%arg12 : memref<40x128xf32, #tpu.memory_space<vmem>>) offsets(%dma_start3A_253 : memref<40xi32, #tpu.memory_space<vmem>>) semaphore(%arg18 : memref<!tpu.dma_semaphore, #tpu.memory_space<semaphore_mem>>)
      } else {
      }
      %scan3A_242 = arith.constant 0 : i32
      scf.yield %scan3A_242 : i32
    }
    %scan3A_91 = arith.constant 50 : i32
    %mul3A_92 = arith.constant 245 : i32
    %mul3A_93 = arith.constant 40 : i32
    %mul3A_94 = arith.muli %mul3A_92, %mul3A_93 : i32
    %dma_wait3A_95 = tpu.memref_slice %arg7[%mul3A_94] : memref<10000xi32, #tpu.memory_space<vmem>> -> memref<40xi32, #tpu.memory_space<vmem>>
    %dma_wait3A_96 = arith.constant 0 : i32
    %dma_wait3A_97 = arith.constant 0 : i32
    %dma_wait3A_98 = tpu.memref_slice %arg13[%dma_wait3A_96, %dma_wait3A_97] : memref<10240x128xf32, #tpu.memory_space<vmem_shared>> -> memref<10240x128xf32, #tpu.memory_space<vmem_shared>>
    tpu.wait_indirect_dma semaphore(%arg19 : memref<!tpu.dma_semaphore, #tpu.memory_space<semaphore_mem>>) src(%arg8 : memref<40x128xf32, #tpu.memory_space<vmem>>) dst(%dma_wait3A_98 : memref<10240x128xf32, #tpu.memory_space<vmem_shared>>)
    %mul3A_99 = arith.constant 246 : i32
    %mul3A_100 = arith.constant 40 : i32
    %mul3A_101 = arith.muli %mul3A_99, %mul3A_100 : i32
    %dma_wait3A_102 = tpu.memref_slice %arg7[%mul3A_101] : memref<10000xi32, #tpu.memory_space<vmem>> -> memref<40xi32, #tpu.memory_space<vmem>>
    %dma_wait3A_103 = arith.constant 0 : i32
    %dma_wait3A_104 = arith.constant 0 : i32
    %dma_wait3A_105 = tpu.memref_slice %arg13[%dma_wait3A_103, %dma_wait3A_104] : memref<10240x128xf32, #tpu.memory_space<vmem_shared>> -> memref<10240x128xf32, #tpu.memory_space<vmem_shared>>
    tpu.wait_indirect_dma semaphore(%arg20 : memref<!tpu.dma_semaphore, #tpu.memory_space<semaphore_mem>>) src(%arg9 : memref<40x128xf32, #tpu.memory_space<vmem>>) dst(%dma_wait3A_105 : memref<10240x128xf32, #tpu.memory_space<vmem_shared>>)
    %mul3A_106 = arith.constant 247 : i32
    %mul3A_107 = arith.constant 40 : i32
    %mul3A_108 = arith.muli %mul3A_106, %mul3A_107 : i32
    %dma_wait3A_109 = tpu.memref_slice %arg7[%mul3A_108] : memref<10000xi32, #tpu.memory_space<vmem>> -> memref<40xi32, #tpu.memory_space<vmem>>
    %dma_wait3A_110 = arith.constant 0 : i32
    %dma_wait3A_111 = arith.constant 0 : i32
    %dma_wait3A_112 = tpu.memref_slice %arg13[%dma_wait3A_110, %dma_wait3A_111] : memref<10240x128xf32, #tpu.memory_space<vmem_shared>> -> memref<10240x128xf32, #tpu.memory_space<vmem_shared>>
    tpu.wait_indirect_dma semaphore(%arg21 : memref<!tpu.dma_semaphore, #tpu.memory_space<semaphore_mem>>) src(%arg10 : memref<40x128xf32, #tpu.memory_space<vmem>>) dst(%dma_wait3A_112 : memref<10240x128xf32, #tpu.memory_space<vmem_shared>>)
    %mul3A_113 = arith.constant 248 : i32
    %mul3A_114 = arith.constant 40 : i32
    %mul3A_115 = arith.muli %mul3A_113, %mul3A_114 : i32
    %dma_wait3A_116 = tpu.memref_slice %arg7[%mul3A_115] : memref<10000xi32, #tpu.memory_space<vmem>> -> memref<40xi32, #tpu.memory_space<vmem>>
    %dma_wait3A_117 = arith.constant 0 : i32
    %dma_wait3A_118 = arith.constant 0 : i32
    %dma_wait3A_119 = tpu.memref_slice %arg13[%dma_wait3A_117, %dma_wait3A_118] : memref<10240x128xf32, #tpu.memory_space<vmem_shared>> -> memref<10240x128xf32, #tpu.memory_space<vmem_shared>>
    tpu.wait_indirect_dma semaphore(%arg22 : memref<!tpu.dma_semaphore, #tpu.memory_space<semaphore_mem>>) src(%arg11 : memref<40x128xf32, #tpu.memory_space<vmem>>) dst(%dma_wait3A_119 : memref<10240x128xf32, #tpu.memory_space<vmem_shared>>)
    %mul3A_120 = arith.constant 249 : i32
    %mul3A_121 = arith.constant 40 : i32
    %mul3A_122 = arith.muli %mul3A_120, %mul3A_121 : i32
    %dma_wait3A_123 = tpu.memref_slice %arg7[%mul3A_122] : memref<10000xi32, #tpu.memory_space<vmem>> -> memref<40xi32, #tpu.memory_space<vmem>>
    %dma_wait3A_124 = arith.constant 0 : i32
    %dma_wait3A_125 = arith.constant 0 : i32
    %dma_wait3A_126 = tpu.memref_slice %arg13[%dma_wait3A_124, %dma_wait3A_125] : memref<10240x128xf32, #tpu.memory_space<vmem_shared>> -> memref<10240x128xf32, #tpu.memory_space<vmem_shared>>
    tpu.wait_indirect_dma semaphore(%arg23 : memref<!tpu.dma_semaphore, #tpu.memory_space<semaphore_mem>>) src(%arg12 : memref<40x128xf32, #tpu.memory_space<vmem>>) dst(%dma_wait3A_126 : memref<10240x128xf32, #tpu.memory_space<vmem_shared>>)
    %barrier3A_127 = arith.constant 0 : index
    tpu.barrier barrier_id(%barrier3A_127)
    "tpu.region"() ({
      %run_scoped3A = tpu.sem_alloc : memref<!tpu.dma_semaphore, #tpu.memory_space<semaphore_mem>>
      %dma_start3A_128 = arith.constant 0 : i32
      %dma_start3A_129 = tpu.memref_slice %arg5[%arg0, %mul3A_2, %dma_start3A_128] : memref<2x10240x128xf32, #tpu.memory_space<hbm>> -> memref<1x640x128xf32, #tpu.memory_space<hbm>>
      %dma_start3A_130 = tpu.memref_squeeze %dma_start3A_129 : memref<1x640x128xf32, #tpu.memory_space<hbm>> -> memref<640x128xf32, #tpu.memory_space<hbm>>
      %dma_start3A_131 = arith.constant 0 : i32
      %dma_start3A_132 = tpu.memref_slice %arg13[%mul3A_2, %dma_start3A_131] : memref<10240x128xf32, #tpu.memory_space<vmem_shared>> -> memref<640x128xf32, #tpu.memory_space<vmem_shared>>
      tpu.enqueue_dma source(%dma_start3A_132 : memref<640x128xf32, #tpu.memory_space<vmem_shared>>) target(%dma_start3A_130 : memref<640x128xf32, #tpu.memory_space<hbm>>) target_semaphore(%run_scoped3A : memref<!tpu.dma_semaphore, #tpu.memory_space<semaphore_mem>>)
      %dma_wait3A_133 = arith.constant 0 : i32
      %dma_wait3A_134 = tpu.memref_slice %arg5[%arg0, %mul3A_2, %dma_wait3A_133] : memref<2x10240x128xf32, #tpu.memory_space<hbm>> -> memref<1x640x128xf32, #tpu.memory_space<hbm>>
      %dma_wait3A_135 = tpu.memref_squeeze %dma_wait3A_134 : memref<1x640x128xf32, #tpu.memory_space<hbm>> -> memref<640x128xf32, #tpu.memory_space<hbm>>
      %dma_wait3A_136 = arith.constant 0 : i32
      %dma_wait3A_137 = tpu.memref_slice %arg13[%mul3A_2, %dma_wait3A_136] : memref<10240x128xf32, #tpu.memory_space<vmem_shared>> -> memref<640x128xf32, #tpu.memory_space<vmem_shared>>
      tpu.wait_dma2 semaphore(%run_scoped3A : memref<!tpu.dma_semaphore, #tpu.memory_space<semaphore_mem>>) src(%dma_wait3A_137 : memref<640x128xf32, #tpu.memory_space<vmem_shared>>) dst(%dma_wait3A_135 : memref<640x128xf32, #tpu.memory_space<hbm>>)
      tpu.yield
    }) : () -> ()
    return
  }
}

module attributes {stable_mosaic.version = 14 : i64} {
  func.func @_final_body(%arg0: i32, %arg1: memref<2x1000x128xf32, #tpu.memory_space<vmem>>, %arg2: memref<128x128xf32, #tpu.memory_space<vmem>>, %arg3: memref<1x128xf32, #tpu.memory_space<vmem>>, %arg4: memref<1000x128xf32, #tpu.memory_space<vmem>>) attributes {dimension_semantics = [#tpu.dimension_semantics<arbitrary>], iteration_bounds = array<i64: 10>, scalar_prefetch = 0 : i64, scratch_operands = 0 : i64, tpu.core_type = #tpu.core_type<tc>, window_params = [{transform_indices = @transform_0, window_bounds = array<i64: 2, 1000, 128>}, {pipeline_mode = #tpu.pipeline_mode<synchronous>, transform_indices = @transform_1, window_bounds = array<i64: 128, 128>}, {pipeline_mode = #tpu.pipeline_mode<synchronous>, transform_indices = @transform_2, window_bounds = array<i64: 1, 128>}, {transform_indices = @transform_3, window_bounds = array<i64: 1000, 128>}]} {
    %get3A = arith.constant 0 : index
    %get3A_0 = arith.constant 0 : index
    %get3A_1 = arith.constant 0 : index
    %get3A_2 = vector.load %arg1[%get3A, %get3A_0, %get3A_1] : memref<2x1000x128xf32, #tpu.memory_space<vmem>>, vector<1x1000x128xf32>
    %get3A_3 = vector.shape_cast %get3A_2 : vector<1x1000x128xf32> to vector<1000x128xf32>
    %get3A_4 = arith.constant 1 : index
    %get3A_5 = arith.constant 0 : index
    %get3A_6 = arith.constant 0 : index
    %get3A_7 = vector.load %arg1[%get3A_4, %get3A_5, %get3A_6] : memref<2x1000x128xf32, #tpu.memory_space<vmem>>, vector<1x1000x128xf32>
    %get3A_8 = vector.shape_cast %get3A_7 : vector<1x1000x128xf32> to vector<1000x128xf32>
    %add3A = arith.addf %get3A_3, %get3A_8 : vector<1000x128xf32>
    %get3A_9 = arith.constant 0 : index
    %get3A_10 = arith.constant 0 : index
    %get3A_11 = vector.load %arg2[%get3A_9, %get3A_10] : memref<128x128xf32, #tpu.memory_space<vmem>>, vector<128x128xf32>
    %dot_general3A = arith.constant dense<0.000000e+00> : vector<1000x128xf32>
    %dot_general3A_12 = tpu.matmul %add3A, %get3A_11, %dot_general3A {dimension_numbers = #tpu.dot_dimension_numbers<[1], [0], [0], [1], [0, 0, 1, 1], [], []>, transpose_lhs_hint = false} : vector<1000x128xf32>, vector<128x128xf32>, vector<1000x128xf32> -> vector<1000x128xf32>
    %get3A_13 = arith.constant 0 : index
    %get3A_14 = arith.constant 0 : index
    %get3A_15 = vector.load %arg3[%get3A_13, %get3A_14] : memref<1x128xf32, #tpu.memory_space<vmem>>, vector<1x128xf32>
    %add3A_16 = vector.broadcast %get3A_15 : vector<1x128xf32> to vector<1000x128xf32>
    %add3A_17 = arith.addf %dot_general3A_12, %add3A_16 : vector<1000x128xf32>
    %swap3A = arith.constant 0 : index
    %swap3A_18 = arith.constant 0 : index
    %swap3A_19 = vector.load %arg4[%swap3A, %swap3A_18] : memref<1000x128xf32, #tpu.memory_space<vmem>>, vector<1000x128xf32>
    tpu.vector_store %arg4[%swap3A, %swap3A_18], %add3A_17 {strides = array<i32>} : memref<1000x128xf32, #tpu.memory_space<vmem>>, vector<1000x128xf32>,
    return
  }
  func.func @transform_0(%arg0: i32) -> (i32, i32, i32) {
    %c0_i32 = arith.constant 0 : i32
    %c0_i32_0 = arith.constant 0 : i32
    %c0_i32_1 = arith.constant 0 : i32
    return %c0_i32, %arg0, %c0_i32_0 : i32, i32, i32
  }
  func.func @transform_1(%arg0: i32) -> (i32, i32) {
    %c0_i32 = arith.constant 0 : i32
    %c0_i32_0 = arith.constant 0 : i32
    %c0_i32_1 = arith.constant 0 : i32
    return %c0_i32, %c0_i32_0 : i32, i32
  }
  func.func @transform_2(%arg0: i32) -> (i32, i32) {
    %c0_i32 = arith.constant 0 : i32
    %c0_i32_0 = arith.constant 0 : i32
    %c0_i32_1 = arith.constant 0 : i32
    return %c0_i32, %c0_i32_0 : i32, i32
  }
  func.func @transform_3(%arg0: i32) -> (i32, i32) {
    %c0_i32 = arith.constant 0 : i32
    %c0_i32_0 = arith.constant 0 : i32
    return %arg0, %c0_i32 : i32, i32
  }
}

</mosaic_0001>

<sc_bundles>
// kernel: kernel.4.cloned.1.call-start
scs
__scs_entry_jumppad:
0x0: {  	(pc) =	sbr.rel $0x88, $3  }
0x1: {  	(tag) =	ssettag $0x0;
	lr =	simm.s32 $0x1  }
0x2: {  	[smem:$0x3F9D] =	sst lr;
	_ =	strace $0xD0000000  }
0x3: {  	_ = 	snop  }
0x4: {  	_ = 	snop  }
0x5: {  	_ = 	snop  }
0x6: {  	_ = 	snop  }
0x7: {  	_ = 	snop  }
__scs_overlays_trampoline_lowered:
0x8: {  	[smem:$0x3FAC] =	sst s0  }
0x9: {  	[smem:$0x3FAD] =	sst s1  }
0xa: {  	[smem:$0x3FAE] =	sst s2  }
0xb: {  	[smem:$0x3FAF] =	sst s3  }
0xc: {  	[smem:$0x3FB0] =	sst s4  }
0xd: {  	[smem:$0x3FB1] =	sst s5  }
0xe: {  	[smem:$0x3FB2] =	sst s6  }
0xf: {  	[smem:$0x3FB3] =	sst s7  }
0x10: {  	[smem:$0x3FB4] =	sst s8  }
0x11: {  	[smem:$0x3FB5] =	sst s9;
	s0 =	simm.s32 @!p0 $0x0  }
0x12: {  	s1 =	sld [smem:$0x3F9B];
	s0 =	simm.s32 @p0 $0x1  }
0x13: {  	[smem:$0x3FB6] =	sst s0;
	s0 =	simm.s32 @!p1 $0x0  }
0x14: {  	s2 =	sld [smem:$0x3F9A];
	s0 =	simm.s32 @p1 $0x1  }
0x15: {  	[smem:$0x3FB7] =	sst s0;
	s0 =	simm.s32 @!p2 $0x0  }
0x16: {  	s3 =	sld [smem:$0x3FDB];
	s0 =	simm.s32 @p2 $0x1  }
0x17: {  	s4 =	simm.s32 $0x1BF5;
	[smem:$0x3FB9] =	sst s0  }
0x18: {  	s0 =	sld [smem:$0x3F9C];
	_ =	swait.ge [sflag:s4], $0x0  }
0x19: {  	s7 =	sld [smem:$0x3F9D]  }
0x1a: {  	s8 =	sadd.s32 $0xFFFFE003, lr  }
0x1b: {  	s9 =	sadd.s32 $0xFFFFFEF7, lr;
	s5 =	simm.s32 $0xFFFFFFFF;
	p2 =	slt.u32 s8, $0xFFFFF086  }
0x1c: {  	p1 =	slt.u32 s9, $0xF7A;
	s5 =	simm.s32 @!p2 $0x0  }
0x1d: {  	s5 =	simm.s32 @p1 $0x1;
	p0 =	seq.s32 s7, s2  }
0x1e: {  	s7 =	smul.u32 @!p0 $0xF7A, s2;
	p2 =	seq.s32 @!p0 s5, $0x0  }
0x1f: {  	s9 =	smul.u32 $0xF7A, s1;
	s8 =	simm.s32 @!p0 $0x1BF5;
	p2 =	por !p2, p0  }
0x20: {  	[sflag:s8] =	ssyncset.s32 @!p0 $0xFFFFF086;
	s6 =	sadd.s32 @!p0 s3, s7;
	s7 =	simm.s32 @!p0 $0x108  }
0x21: {  	s3 =	sadd.s32 s3, s9;
	s6 =	sadd.s32 @!p0 $0x88, s6;
	s7 =	simm.s32 @p2 $0x1082  }
0x22: {  	[simem:s7], [sflag:s8] =	dma.local @!p0 [hbm:s6], $0xF7A  }
0x23: {  	s9 =	sor.u32 $0xD0000000, s2;
	s6 =	simm.s32 $0x108;
	_ =	swait.ge @!p0 [sflag:s8], $0x0  }
0x24: {  	s3 =	sadd.s32 $0x88, s3;
	s6 =	simm.s32 @!p1 $0x1082;
	[sflag:s4] =	ssyncset.s32 $0xFFFFF086  }
0x25: {  	[simem:s6], [sflag:s4] =	dma.local [hbm:s3], $0xF7A  }
0x26: {  	[smem:$0x3F9D] =	sst s1;
	(tag) =	ssettag s2;
	_ =	strace s9  }
0x27: {  	s1 =	sld [smem:$0x3FAD]  }
0x28: {  	s2 =	sld [smem:$0x3FAE]  }
0x29: {  	s4 =	sld [smem:$0x3FB0]  }
0x2a: {  	p0 =	seq.s32 s5, $0x0;
	s5 =	sld [smem:$0x3FB1]  }
0x2b: {  	s6 =	sld [smem:$0x3FB2]  }
0x2c: {  	s7 =	sld [smem:$0x3FB3]  }
0x2d: {  	s3 =	simm.s32 $0x108;
	s8 =	sld [smem:$0x3FB4]  }
0x2e: {  	s3 =	simm.s32 @!p0 $0x1082;
	s9 =	sld [smem:$0x3FB5]  }
0x2f: {  	lr =	sadd.s32 s0, s3;
	s0 =	sld [smem:$0x3FAC]  }
0x30: {  	s3 =	sld [smem:$0x3FAF]  }
0x31: {  	[smem:$0x3FB8] =	sst s10  }
0x32: {  	s10 =	sld [smem:$0x3FB6];
	_ =	sdelay $0x3  }
0x33: {  	p0 =	seq.s32 s10, $0x1;
	s10 =	sld [smem:$0x3FB8];
	_ =	sdelay $0x3  }
0x34: {  	[smem:$0x3FB8] =	sst s10  }
0x35: {  	s10 =	sld [smem:$0x3FB7];
	_ =	sdelay $0x3  }
0x36: {  	p1 =	seq.s32 s10, $0x1;
	s10 =	sld [smem:$0x3FB8];
	_ =	sdelay $0x3  }
0x37: {  	[smem:$0x3FB8] =	sst s10  }
0x38: {  	s10 =	sld [smem:$0x3FB9]  }
0x39: {  	_ = 	snop;
	(pc) =	sbr.ind lr, $3  }
0x3a: {  	_ = 	snop  }
0x3b: {  	_ = 	snop  }
0x3c: {  	p2 =	seq.s32 s10, $0x1;
	s10 =	sld [smem:$0x3FB8]  }
0x3d: {  	_ =	shalt  }
0x3e: {  	_ =	shalt  }
0x3f: {  	_ =	shalt  }
0x40: {  	_ =	shalt  }
0x41: {  	_ =	shalt  }
0x42: {  	_ =	shalt  }
0x43: {  	_ =	shalt  }
0x44: {  	_ =	shalt  }
0x45: {  	_ =	shalt  }
0x46: {  	_ =	shalt  }
0x47: {  	_ =	shalt  }
0x48: {  	_ =	shalt  }
0x49: {  	_ =	shalt  }
0x4a: {  	_ =	shalt  }
0x4b: {  	_ =	shalt  }
0x4c: {  	_ =	shalt  }
0x4d: {  	_ =	shalt  }
0x4e: {  	_ =	shalt  }
0x4f: {  	_ =	shalt  }
0x50: {  	_ =	shalt  }
0x51: {  	_ =	shalt  }
0x52: {  	_ =	shalt  }
0x53: {  	_ =	shalt  }
0x54: {  	_ =	shalt  }
0x55: {  	_ =	shalt  }
0x56: {  	_ =	shalt  }
0x57: {  	_ =	shalt  }
0x58: {  	_ =	shalt  }
0x59: {  	_ =	shalt  }
0x5a: {  	_ =	shalt  }
0x5b: {  	_ =	shalt  }
0x5c: {  	_ =	shalt  }
0x5d: {  	_ =	shalt  }
0x5e: {  	_ =	shalt  }
0x5f: {  	_ =	shalt  }
0x60: {  	_ =	shalt  }
0x61: {  	_ =	shalt  }
0x62: {  	_ =	shalt  }
0x63: {  	_ =	shalt  }
0x64: {  	_ =	shalt  }
0x65: {  	_ =	shalt  }
0x66: {  	_ =	shalt  }
0x67: {  	_ =	shalt  }
0x68: {  	_ =	shalt  }
0x69: {  	_ =	shalt  }
0x6a: {  	_ =	shalt  }
0x6b: {  	_ =	shalt  }
0x6c: {  	_ =	shalt  }
0x6d: {  	_ =	shalt  }
0x6e: {  	_ =	shalt  }
0x6f: {  	_ =	shalt  }
0x70: {  	_ =	shalt  }
0x71: {  	_ =	shalt  }
0x72: {  	_ =	shalt  }
0x73: {  	_ =	shalt  }
0x74: {  	_ =	shalt  }
0x75: {  	_ =	shalt  }
0x76: {  	_ =	shalt  }
0x77: {  	_ =	shalt  }
0x78: {  	_ =	shalt  }
0x79: {  	_ =	shalt  }
0x7a: {  	_ =	shalt  }
0x7b: {  	_ =	shalt  }
0x7c: {  	_ =	shalt  }
0x7d: {  	_ =	shalt  }
0x7e: {  	_ =	shalt  }
0x7f: {  	_ =	shalt  }
0x80: {  	_ =	shalt  }
0x81: {  	_ =	shalt  }
0x82: {  	_ =	shalt  }
0x83: {  	_ =	shalt  }
0x84: {  	_ =	shalt  }
0x85: {  	_ =	shalt  }
0x86: {  	_ =	shalt  }
0x87: {  	_ =	shalt  }
.Lfunc_end0:
.L_simem_size_0:
called_computation_lowered:
.L_overlay_start_0:
0x88: {  	s2 =	sld [smem:$0x3FD9]  }
0x89: {  	s3 =	sld [smem:$0x3FFE];
	_ =	sdelay $0x1  }
0x8a: {  	s1 =	srdreg.scid  }
0x8b: {  	s0 =	sand.u32 $0x1, s1  }
0x8c: {  	s17 =	sshll.u32 s0, $0xA;
	s2 =	sadd.s32 s3, s2  }
0x8d: {  	s2 =	sadd.s32 s2, s17  }
0x8e: {  	[smem:$0x3FC4] =	sst s2  }
0x8f: {  	_ = 	snop  }
0x90: {  	s2 =	sld [smem:$0x3FC9]  }
0x91: {  	s18 =	sld [smem:$0x3FD0];
	(tm) =	ssettm $0x1  }
0x92: {  	s4 =	sld [smem:$0x3FFB];
	_ =	sdelay $0x3  }
0x93: {  	_ =	strace s4  }
0x94: {  	s4 =	sld [smem:$0x3FFC];
	_ =	sdelay $0x3  }
0x95: {  	_ =	strace s4  }
0x96: {  	s4 =	sld [smem:$0x3FFD];
	_ =	sdelay $0x3  }
0x97: {  	_ =	strace s4  }
0x98: {  	_ =	strace $0x8FFFFFFF  }
0x99: {  	s19 =	sld [smem:$0x3FDB];
	_ =	sdelay $0x1  }
0x9a: {  	s5 =	simm.s32 $_scs_section_size  }
0x9b: {  	s6 =	simm.s32 $_size__tile_overlayer_lowered;
	s7 =	simm.s32 $_tile_overlayer_lowered  }
0x9c: {  	s22 =	simm.s32 $0x1BFF;
	s21 =	sshll.u32 s7, $0x1;
	s4 =	sadd.s32 s5, s19  }
0x9d: {  	s8 =	simm.s32 $0x0;
	s20 =	sshll.u32 s6, $0x1;
	s6 =	sadd.s32 s21, s4  }
0x9e: {  	[timem:s8], [sflag:s22] =	dma.local [hbm:s6], s20  }
0x9f: {  	_ =	swait.ge [sflag:s22], s20  }
0xa0: {  	s5 =	ssub.s32 $0x0, s20;
	[sflag:s22] =	ssyncset.done $0x0  }
0xa1: {  	[sflag:s22] =	ssyncadd.s32 s5;
	_ =	sdelay $0x1  }
0xa2: {  	s23 =	simm.s32 $0x1B8B  }
0xa3: {  	_ =	swait.ge [sflag:s23], $0x1  }
0xa4: {  	[sflag:s23] =	ssyncset.done $0x0  }
0xa5: {  	s25 =	simm.s32 $0x1B8E;
	s24 =	sld [smem:$0x3FFE];
	[sflag:s23] =	ssyncadd.s32 $0xFFFFFFFF  }
0xa6: {  	s26 =	simm.s32 $execute0_lowered;
	[smem:$0x3FD2] =	sst s25  }
0xa7: {  	s6 =	sshll.u32 s26, $0x1;
	_ =	strace $0x80000046;
	[dreg:$0x1] =	wrdreg $0xFFFFFFFF  }
0xa8: {  	s28 =	simm.s32 $_size_execute0_lowered;
	s4 =	sadd.s32 s4, s6;
	[dreg:$0x0] =	wrdreg $0x0  }
0xa9: {  	s6 =	sshll.u32 s28, $0x1;
	[dreg:$0x2] =	wrdreg s4  }
0xaa: {  	[dreg:$0x3] =	wrdreg s6  }
0xab: {  	[dreg:$0x4] =	wrdreg $0xC0  }
0xac: {  	_ =	task [dreg:s8], $0x5FFFF  }
0xad: {  	[dreg:$0x1] =	wrdreg $0xFFFFFFFF  }
0xae: {  	[dreg:$0x0] =	wrdreg $0x60  }
0xaf: {  	[dreg:$0x2] =	wrdreg s2  }
0xb0: {  	[dreg:$0x3] =	wrdreg s24  }
0xb1: {  	[dreg:$0x4] =	wrdreg s18  }
0xb2: {  	[dreg:$0x5] =	wrdreg $0xB3000  }
0xb3: {  	[dreg:$0x6] =	wrdreg $0x9  }
0xb4: {  	_ =	task.clear_ibuf [dreg:s8], $0x7FFFF;
	_ =	strace $0x90000046  }
0xb5: {  	s29 =	simm.s32 $0x9;
	_ =	strace $0x80000048  }
0xb6: {  	_ =	swait.ge [sflag:s29], $0x1  }
0xb7: {  	[sflag:s29] =	ssyncadd.s32 $0xFFFFFFFF  }
0xb8: {  	_ =	strace $0x90000048  }
0xb9: {  	_ =	sfence  }
0xba: {  	s30 =	sld [smem:$0x0];
	_ =	sdelay $0x2  }
0xbb: {  	s31 =	sshll.u32 s1, $0xD;
	s1 =	sshrl.u32 s1, $0x2  }
0xbc: {  	s3 =	sand.u32 $0x4000, s31;
	s1 =	sadd.s32 s1, s30  }
0xbd: {  	s0 =	sor.u32 s3, s0;
	s1 =	sshll.u32 s1, $0x11  }
0xbe: {  	s0 =	sor.u32 s1, s0  }
0xbf: {  	s0 =	sadd.s32 $0x8F2B, s0  }
0xc0: {  	[sflag:s0] =	ssyncadd.remote.s32 $0x1  }
0xc1: {  	_ =	sfence.sel $0xFFFF  }
0xc2: {  	[dreg:$0x0] =	wrdreg $0xFFFFFFFF;
	(pc) =	sbr.abs _section_cstart, $3  }
0xc3: {  	[dreg:$0x1] =	wrdreg $0xFFFFFFFF  }
0xc4: {  	_ =	task.clear_ibuf [dreg:s8], $0x2FFFF;
	_ =	strace $0x9FFFFFFF  }
0xc5: {  	(tm) =	ssettm $0x7FFFFFFF  }
tec
execute0_lowered:
.L_overlay_start_1:
0x0: {  	(tag) =	ssettag $0x1  }
0x1: {  	s1 =	rddreg [dreg:$0x0]  }
0x2: {  	s0 =	rddreg [dreg:$0x1]  }
0x3: {  	s5 =	srdreg.scid;
	s9 =	stileid.u32  }
0x4: {  	s3 =	rddreg [dreg:$0x2];
	s5 =	sand.u32 $0x1, s5;
	s8 =	smul.u32 $0x14000, s9  }
0x5: {  	s2 =	rddreg [dreg:$0x3];
	s6 =	sshll.u32 s5, $0x4;
	s7 =	smul.u32 $0x140000, s5  }
0x6: {  	s4 =	simm.s32 $0x0;
	s6 =	sor.u32 s9, s6;
	s9 =	smul.u32 $0x50000, s9  }
0x7: {  	[smem:$0x7FF] =	sst s4;
	s6 =	smul.u32 $0x4E2, s6;
	s7 =	sadd.s32 s8, s7  }
0x8: {  	_ =	strace $0x80000047;
	s7 =	sshrl.u32 s7, $0x3;
	s12 =	sshrl.u32 s9, $0x2  }
0x9: {  	s11 =	sadd.s32 s6, s0;
	s0 =	sadd.s32 s7, s0;
	s3 =	sadd.s32 s3, s6  }
0xa: {  	s7 =	sadd.s32 s12, s2;
	s13 =	sadd.s32 $0x200, s11;
	[dreg:$0x6] =	wrdreg s3  }
0xb: {  	s14 =	sadd.s32 $0x1400, s7;
	[dreg:$0x5] =	wrdreg s13  }
0xc: {  	s28 =	simm.s32 $0xC;
	s15 =	sadd.s32 $0x2800, s7;
	[dreg:$0x7] =	wrdreg s14  }
0xd: {  	s29 =	simm.s32 $0xB;
	s16 =	sadd.s32 $0x3C00, s7;
	[dreg:$0x8] =	wrdreg s15  }
0xe: {  	s30 =	simm.s32 $0x28;
	s17 =	sadd.s32 $0x5000, s7;
	[dreg:$0x9] =	wrdreg s16  }
0xf: {  	s31 =	simm.s32 $0x6300;
	s18 =	sadd.s32 $0x6400, s7;
	[dreg:$0xa] =	wrdreg s17  }
0x10: {  	s5 =	ssub.s32 $0x2, s5;
	s19 =	sadd.s32 $0x7800, s7;
	[dreg:$0xb] =	wrdreg s18  }
0x11: {  	s10 =	sshrl.u32 s5, $0x1;
	s20 =	sadd.s32 $0x8C00, s7;
	[dreg:$0xc] =	wrdreg s19  }
0x12: {  	s5 =	ssub.s32 s5, s10;
	s21 =	sadd.s32 $0xA000, s7;
	[dreg:$0xd] =	wrdreg s20  }
0x13: {  	s8 =	simm.s32 $0x2;
	s22 =	sadd.s32 $0xB400, s7;
	[dreg:$0xe] =	wrdreg s21  }
0x14: {  	s10 =	simm.s32 $0x3;
	s23 =	sadd.s32 $0xC800, s7;
	[dreg:$0xf] =	wrdreg s22  }
0x15: {  	s9 =	simm.s32 $0x7;
	s24 =	sadd.s32 $0xDC00, s7;
	[dreg:$0x10] =	wrdreg s23  }
0x16: {  	s6 =	simm.s32 $0x6;
	s25 =	sadd.s32 $0xF000, s7;
	[dreg:$0x11] =	wrdreg s24  }
0x17: {  	s12 =	simm.s32 $0x4;
	s26 =	sadd.s32 $0x10400, s7;
	[dreg:$0x12] =	wrdreg s25  }
0x18: {  	s3 =	simm.s32 $0x9F00;
	s11 =	simm.s32 $0x8;
	[dreg:$0x13] =	wrdreg s26  }
0x19: {  	s21 =	sadd.s32 $0x11800, s7;
	s22 =	sadd.s32 $0x12C00, s7;
	s23 =	sadd.s32 $0xA000, s0  }
0x1a: {  	s24 =	smax.u32 s5, $0x1;
	s26 =	simm.s32 $0x4F00;
	s25 =	simm.s32 $0x7700  }
0x1b: {  	s0 =	simm.s32 $0x8B00;
	s5 =	simm.s32 $0x1;
	s13 =	simm.s32 $0x9  }
0x1c: {  	v0 =	vimm.f32 $0.0e+00;
	s14 =	simm.s32 $0x5;
	s15 =	simm.s32 $0xA;
	s16 =	simm.s32 $0x0  }
.LBB2_1:
0x1d: {  	s17 =	rddreg [dreg:$0x5]  }
0x1e: {  	[tilespmem:s4], [sflag:$0xB] =	stream.linear.gather [hbm4b:s17+s4], $0x2710, $0x38;
	[tilespmem:$0x1F300] =	vst v63  }
0x1f: {  	s20 =	rddreg [dreg:$0x6];
	s18 =	simm.s32 $0x2780;
	s19 =	sand.u32 $0x7E00, s4  }
0x20: {  	[tilespmem:s18], [sflag:$0xB] =	stream.linear.gather [hbm4b:s20+s4], $0x2710, $0x38;
	[tilespmem:$0x1F300] =	vst v63  }
0x21: {  	s19 =	sshrl.u32 s19, $0x2;
	s20 =	sand.u32 $0x70, s4  }
0x22: {  	s17 =	simm.s32 $0x40;
	s18 =	simm.s32 $0x0;
	s19 =	sor.u32 s20, s19  }
.LBB2_2:
0x23: {  	p0 =	sne.s32 s17, $0x4FC0  }
0x24: {  	[tilespmem:s19+$0x4F00] =	vst v0;
	s18 =	sadd.s32 $0x10, s18;
	s19 =	smov.u32 s17;
	s17 =	sadd.s32 $0x40, s17  }
.Ltmp0:
0x25: {  	(pc) =	sbr.rel @p0 .LBB2_2-.Ltmp0, $4  }
0x26: {  	_ = 	snop  }
0x27: {  	s19 =	sand.u32 $0x7E00, s19  }
0x28: {  	s20 =	sand.u32 $0x70, s18;
	s19 =	sshrl.u32 s19, $0x2  }
0x29: {  	s19 =	sor.u32 s20, s19  }
0x2a: {  	[tilespmem:s19+$0x4F00] =	vst v0  }
0x2b: {  	[spmem:s7] =	stream.linear.scatter [tilespmem:s26], [sflag:$0xC], $0x1400, $0x38;
	[tilespmem:$0x1F300] =	vst v63  }
0x2c: {  	_ =	swait.ge [sflag:s28], $0x1400  }
0x2d: {  	[sflag:s28] =	ssyncset.done $0x0  }
0x2e: {  	s17 =	rddreg [dreg:$0x7];
	[sflag:s28] =	ssyncadd.s32 $0xFFFFEC00  }
0x2f: {  	[spmem:s17] =	stream.linear.scatter [tilespmem:s26], [sflag:$0xC], $0x1400, $0x38;
	[tilespmem:$0x1F300] =	vst v63  }
0x30: {  	_ =	swait.ge [sflag:s28], $0x1400  }
0x31: {  	[sflag:s28] =	ssyncset.done $0x0  }
0x32: {  	s20 =	rddreg [dreg:$0x8];
	[sflag:s28] =	ssyncadd.s32 $0xFFFFEC00  }
0x33: {  	[spmem:s20] =	stream.linear.scatter [tilespmem:s26], [sflag:$0xC], $0x1400, $0x38;
	[tilespmem:$0x1F300] =	vst v63  }
0x34: {  	_ =	swait.ge [sflag:s28], $0x1400  }
0x35: {  	[sflag:s28] =	ssyncset.done $0x0  }
0x36: {  	s18 =	rddreg [dreg:$0x9];
	[sflag:s28] =	ssyncadd.s32 $0xFFFFEC00  }
0x37: {  	[spmem:s18] =	stream.linear.scatter [tilespmem:s26], [sflag:$0xC], $0x1400, $0x38;
	[tilespmem:$0x1F300] =	vst v63  }
0x38: {  	_ =	swait.ge [sflag:s28], $0x1400  }
0x39: {  	[sflag:s28] =	ssyncset.done $0x0  }
0x3a: {  	s19 =	rddreg [dreg:$0xa];
	[sflag:s28] =	ssyncadd.s32 $0xFFFFEC00  }
0x3b: {  	[spmem:s19] =	stream.linear.scatter [tilespmem:s26], [sflag:$0xC], $0x1400, $0x38;
	[tilespmem:$0x1F300] =	vst v63  }
0x3c: {  	_ =	swait.ge [sflag:s28], $0x1400  }
0x3d: {  	[sflag:s28] =	ssyncset.done $0x0  }
0x3e: {  	s20 =	rddreg [dreg:$0xb];
	[sflag:s28] =	ssyncadd.s32 $0xFFFFEC00  }
0x3f: {  	[spmem:s20] =	stream.linear.scatter [tilespmem:s26], [sflag:$0xC], $0x1400, $0x38;
	[tilespmem:$0x1F300] =	vst v63  }
0x40: {  	_ =	swait.ge [sflag:s28], $0x1400  }
0x41: {  	[sflag:s28] =	ssyncset.done $0x0  }
0x42: {  	s18 =	rddreg [dreg:$0xc];
	[sflag:s28] =	ssyncadd.s32 $0xFFFFEC00  }
0x43: {  	[spmem:s18] =	stream.linear.scatter [tilespmem:s26], [sflag:$0xC], $0x1400, $0x38;
	[tilespmem:$0x1F300] =	vst v63  }
0x44: {  	_ =	swait.ge [sflag:s28], $0x1400  }
0x45: {  	[sflag:s28] =	ssyncset.done $0x0  }
0x46: {  	s19 =	rddreg [dreg:$0xd];
	[sflag:s28] =	ssyncadd.s32 $0xFFFFEC00  }
0x47: {  	[spmem:s19] =	stream.linear.scatter [tilespmem:s26], [sflag:$0xC], $0x1400, $0x38;
	[tilespmem:$0x1F300] =	vst v63  }
0x48: {  	_ =	swait.ge [sflag:s28], $0x1400  }
0x49: {  	[sflag:s28] =	ssyncset.done $0x0  }
0x4a: {  	s20 =	rddreg [dreg:$0xe];
	[sflag:s28] =	ssyncadd.s32 $0xFFFFEC00  }
0x4b: {  	[spmem:s20] =	stream.linear.scatter [tilespmem:s26], [sflag:$0xC], $0x1400, $0x38;
	[tilespmem:$0x1F300] =	vst v63  }
0x4c: {  	_ =	swait.ge [sflag:s28], $0x1400  }
0x4d: {  	[sflag:s28] =	ssyncset.done $0x0  }
0x4e: {  	s18 =	rddreg [dreg:$0xf];
	[sflag:s28] =	ssyncadd.s32 $0xFFFFEC00  }
0x4f: {  	[spmem:s18] =	stream.linear.scatter [tilespmem:s26], [sflag:$0xC], $0x1400, $0x38;
	[tilespmem:$0x1F300] =	vst v63  }
0x50: {  	_ =	swait.ge [sflag:s28], $0x1400  }
0x51: {  	[sflag:s28] =	ssyncset.done $0x0  }
0x52: {  	s19 =	rddreg [dreg:$0x10];
	[sflag:s28] =	ssyncadd.s32 $0xFFFFEC00  }
0x53: {  	[spmem:s19] =	stream.linear.scatter [tilespmem:s26], [sflag:$0xC], $0x1400, $0x38;
	[tilespmem:$0x1F300] =	vst v63  }
0x54: {  	_ =	swait.ge [sflag:s28], $0x1400  }
0x55: {  	[sflag:s28] =	ssyncset.done $0x0  }
0x56: {  	s20 =	rddreg [dreg:$0x11];
	[sflag:s28] =	ssyncadd.s32 $0xFFFFEC00  }
0x57: {  	[spmem:s20] =	stream.linear.scatter [tilespmem:s26], [sflag:$0xC], $0x1400, $0x38;
	[tilespmem:$0x1F300] =	vst v63  }
0x58: {  	_ =	swait.ge [sflag:s28], $0x1400  }
0x59: {  	[sflag:s28] =	ssyncset.done $0x0  }
0x5a: {  	s18 =	rddreg [dreg:$0x12];
	[sflag:s28] =	ssyncadd.s32 $0xFFFFEC00  }
0x5b: {  	[spmem:s18] =	stream.linear.scatter [tilespmem:s26], [sflag:$0xC], $0x1400, $0x38;
	[tilespmem:$0x1F300] =	vst v63  }
0x5c: {  	_ =	swait.ge [sflag:s28], $0x1400  }
0x5d: {  	[sflag:s28] =	ssyncset.done $0x0  }
0x5e: {  	s19 =	rddreg [dreg:$0x13];
	[sflag:s28] =	ssyncadd.s32 $0xFFFFEC00  }
0x5f: {  	[spmem:s19] =	stream.linear.scatter [tilespmem:s26], [sflag:$0xC], $0x1400, $0x38;
	[tilespmem:$0x1F300] =	vst v63  }
0x60: {  	_ =	swait.ge [sflag:s28], $0x1400  }
0x61: {  	[sflag:s28] =	ssyncset.done $0x0  }
0x62: {  	[sflag:s28] =	ssyncadd.s32 $0xFFFFEC00  }
0x63: {  	[spmem:s21] =	stream.linear.scatter [tilespmem:s26], [sflag:$0xC], $0x1400, $0x38;
	[tilespmem:$0x1F300] =	vst v63  }
0x64: {  	_ =	swait.ge [sflag:s28], $0x1400  }
0x65: {  	[sflag:s28] =	ssyncset.done $0x0  }
0x66: {  	[sflag:s28] =	ssyncadd.s32 $0xFFFFEC00  }
0x67: {  	[spmem:s22] =	stream.linear.scatter [tilespmem:s26], [sflag:$0xC], $0x1400, $0x38;
	[tilespmem:$0x1F300] =	vst v63  }
0x68: {  	_ =	swait.ge [sflag:s28], $0x1400  }
0x69: {  	[sflag:s28] =	ssyncset.done $0x0  }
0x6a: {  	[sflag:s28] =	ssyncadd.s32 $0xFFFFEC00  }
0x6b: {  	_ =	swait.ge [sflag:s29], $0x2710  }
0x6c: {  	[sflag:s29] =	ssyncset.done $0x0  }
0x6d: {  	[sflag:s29] =	ssyncadd.s32 $0xFFFFD8F0  }
0x6e: {  	_ =	swait.ge [sflag:s29], $0x2710  }
0x6f: {  	[sflag:s29] =	ssyncset.done $0x0  }
0x70: {  	[sflag:s29] =	ssyncadd.s32 $0xFFFFD8F0  }
0x71: {  	s20 =	simm.s32 $0x0;
	[bflag:$0x0] =	sbarrier.arrive $0xFFFF  }
0x72: {  	[tilespmem:s26], [sflag:$0x1] =	stream.indirect.gather [hbm4b:s1+s30], $0x80, s20, s30, $0xb8;
	[tilespmem:$0x1F300] =	vst v63  }
0x73: {  	_ = 	snop  }
0x74: {  	[tilespmem:s31], [sflag:$0x2] =	stream.indirect.gather [hbm4b:s1+s30], $0x80, s30, s30, $0xb8;
	[tilespmem:$0x1F300] =	vst v63  }
0x75: {  	s18 =	simm.s32 $0x50  }
0x76: {  	[tilespmem:s25], [sflag:$0x3] =	stream.indirect.gather [hbm4b:s1+s30], $0x80, s18, s30, $0xb8;
	[tilespmem:$0x1F300] =	vst v63  }
0x77: {  	s19 =	simm.s32 $0x78  }
0x78: {  	[tilespmem:s0], [sflag:$0x4] =	stream.indirect.gather [hbm4b:s1+s30], $0x80, s19, s30, $0xb8;
	[tilespmem:$0x1F300] =	vst v63  }
0x79: {  	s20 =	simm.s32 $0xA0  }
0x7a: {  	[tilespmem:s3], [sflag:$0x5] =	stream.indirect.gather [hbm4b:s1+s30], $0x80, s20, s30, $0xb8;
	[tilespmem:$0x1F300] =	vst v63  }
0x7b: {  	_ =	swait.ge [sflag:s5], $0x1400  }
0x7c: {  	[sflag:s5] =	ssyncset.done $0x0  }
0x7d: {  	s18 =	simm.s32 $0x2780;
	[sflag:s5] =	ssyncadd.s32 $0xFFFFEC00  }
0x7e: {  	[spmem:s2] =	stream.indirect.scatter.add.f32 [tilespmem:s26], [sflag:$0x6], $0x80, s18, s30, $0xb8;
	[tilespmem:$0x1F300] =	vst v63  }
0x7f: {  	_ =	swait.ge [sflag:s6], $0x1400  }
0x80: {  	[sflag:s6] =	ssyncset.done $0x0  }
0x81: {  	s19 =	simm.s32 $0xC8;
	[sflag:s6] =	ssyncadd.s32 $0xFFFFEC00  }
0x82: {  	[tilespmem:s26], [sflag:$0x1] =	stream.indirect.gather [hbm4b:s1+s30], $0x80, s19, s30, $0xb8;
	[tilespmem:$0x1F300] =	vst v63  }
0x83: {  	_ =	swait.ge [sflag:s8], $0x1400  }
0x84: {  	[sflag:s8] =	ssyncset.done $0x0  }
0x85: {  	s20 =	simm.s32 $0x27A8;
	[sflag:s8] =	ssyncadd.s32 $0xFFFFEC00  }
0x86: {  	[spmem:s2] =	stream.indirect.scatter.add.f32 [tilespmem:s31], [sflag:$0x7], $0x80, s20, s30, $0xb8;
	[tilespmem:$0x1F300] =	vst v63  }
0x87: {  	_ =	swait.ge [sflag:s9], $0x1400  }
0x88: {  	[sflag:s9] =	ssyncset.done $0x0  }
0x89: {  	s18 =	simm.s32 $0xF0;
	[sflag:s9] =	ssyncadd.s32 $0xFFFFEC00  }
0x8a: {  	[tilespmem:s31], [sflag:$0x2] =	stream.indirect.gather [hbm4b:s1+s30], $0x80, s18, s30, $0xb8;
	[tilespmem:$0x1F300] =	vst v63  }
0x8b: {  	_ =	swait.ge [sflag:s10], $0x1400  }
0x8c: {  	[sflag:s10] =	ssyncset.done $0x0  }
0x8d: {  	s19 =	simm.s32 $0x27D0;
	[sflag:s10] =	ssyncadd.s32 $0xFFFFEC00  }
0x8e: {  	[spmem:s2] =	stream.indirect.scatter.add.f32 [tilespmem:s25], [sflag:$0x8], $0x80, s19, s30, $0xb8;
	[tilespmem:$0x1F300] =	vst v63  }
0x8f: {  	_ =	swait.ge [sflag:s11], $0x1400  }
0x90: {  	[sflag:s11] =	ssyncset.done $0x0  }
0x91: {  	s20 =	simm.s32 $0x118;
	[sflag:s11] =	ssyncadd.s32 $0xFFFFEC00  }
0x92: {  	[tilespmem:s25], [sflag:$0x3] =	stream.indirect.gather [hbm4b:s1+s30], $0x80, s20, s30, $0xb8;
	[tilespmem:$0x1F300] =	vst v63  }
0x93: {  	_ =	swait.ge [sflag:s12], $0x1400  }
0x94: {  	[sflag:s12] =	ssyncset.done $0x0  }
0x95: {  	s18 =	simm.s32 $0x27F8;
	[sflag:s12] =	ssyncadd.s32 $0xFFFFEC00  }
0x96: {  	[spmem:s2] =	stream.indirect.scatter.add.f32 [tilespmem:s0], [sflag:$0x9], $0x80, s18, s30, $0xb8;
	[tilespmem:$0x1F300] =	vst v63  }
0x97: {  	_ =	swait.ge [sflag:s13], $0x1400  }
0x98: {  	[sflag:s13] =	ssyncset.done $0x0  }
0x99: {  	s19 =	simm.s32 $0x140;
	[sflag:s13] =	ssyncadd.s32 $0xFFFFEC00  }
0x9a: {  	[tilespmem:s0], [sflag:$0x4] =	stream.indirect.gather [hbm4b:s1+s30], $0x80, s19, s30, $0xb8;
	[tilespmem:$0x1F300] =	vst v63  }
0x9b: {  	_ =	swait.ge [sflag:s14], $0x1400  }
0x9c: {  	[sflag:s14] =	ssyncset.done $0x0  }
0x9d: {  	s20 =	simm.s32 $0x2820;
	[sflag:s14] =	ssyncadd.s32 $0xFFFFEC00  }
0x9e: {  	[spmem:s2] =	stream.indirect.scatter.add.f32 [tilespmem:s3], [sflag:$0xA], $0x80, s20, s30, $0xb8;
	[tilespmem:$0x1F300] =	vst v63  }
0x9f: {  	_ =	swait.ge [sflag:s15], $0x1400  }
0xa0: {  	[sflag:s15] =	ssyncset.done $0x0  }
0xa1: {  	s17 =	simm.s32 $0x320;
	s18 =	simm.s32 $0x168;
	[sflag:s15] =	ssyncadd.s32 $0xFFFFEC00  }
.LBB2_4:
0xa2: {  	[tilespmem:s3], [sflag:$0x5] =	stream.indirect.gather [hbm4b:s1+s30], $0x80, s18, s30, $0xb8;
	[tilespmem:$0x1F300] =	vst v63  }
0xa3: {  	s18 =	smov.u32 s17  }
0xa4: {  	p0 =	sne.s32 s17, $0x9600;
	s17 =	sadd.s32 $0x320, s17;
	_ =	swait.ge [sflag:s5], $0x1400  }
0xa5: {  	s18 =	sshra.s32 s18, $0x2;
	[sflag:s5] =	ssyncset.done $0x0  }
0xa6: {  	s19 =	sadd.s32 $0x2780, s18;
	[sflag:s5] =	ssyncadd.s32 $0xFFFFEC00  }
0xa7: {  	[spmem:s2] =	stream.indirect.scatter.add.f32 [tilespmem:s26], [sflag:$0x6], $0x80, s19, s30, $0xb8;
	[tilespmem:$0x1F300] =	vst v63  }
0xa8: {  	_ =	swait.ge [sflag:s6], $0x1400  }
0xa9: {  	[sflag:s6] =	ssyncset.done $0x0  }
0xaa: {  	s19 =	sadd.s32 $0xC8, s18;
	[sflag:s6] =	ssyncadd.s32 $0xFFFFEC00  }
0xab: {  	[tilespmem:s26], [sflag:$0x1] =	stream.indirect.gather [hbm4b:s1+s30], $0x80, s19, s30, $0xb8;
	[tilespmem:$0x1F300] =	vst v63  }
0xac: {  	_ =	swait.ge [sflag:s8], $0x1400  }
0xad: {  	[sflag:s8] =	ssyncset.done $0x0  }
0xae: {  	s19 =	sadd.s32 $0x27A8, s18;
	[sflag:s8] =	ssyncadd.s32 $0xFFFFEC00  }
0xaf: {  	[spmem:s2] =	stream.indirect.scatter.add.f32 [tilespmem:s31], [sflag:$0x7], $0x80, s19, s30, $0xb8;
	[tilespmem:$0x1F300] =	vst v63  }
0xb0: {  	_ =	swait.ge [sflag:s9], $0x1400  }
0xb1: {  	[sflag:s9] =	ssyncset.done $0x0  }
0xb2: {  	s19 =	sadd.s32 $0xF0, s18;
	[sflag:s9] =	ssyncadd.s32 $0xFFFFEC00  }
0xb3: {  	[tilespmem:s31], [sflag:$0x2] =	stream.indirect.gather [hbm4b:s1+s30], $0x80, s19, s30, $0xb8;
	[tilespmem:$0x1F300] =	vst v63  }
0xb4: {  	_ =	swait.ge [sflag:s10], $0x1400  }
0xb5: {  	[sflag:s10] =	ssyncset.done $0x0  }
0xb6: {  	s19 =	sadd.s32 $0x27D0, s18;
	[sflag:s10] =	ssyncadd.s32 $0xFFFFEC00  }
0xb7: {  	[spmem:s2] =	stream.indirect.scatter.add.f32 [tilespmem:s25], [sflag:$0x8], $0x80, s19, s30, $0xb8;
	[tilespmem:$0x1F300] =	vst v63  }
0xb8: {  	_ =	swait.ge [sflag:s11], $0x1400  }
0xb9: {  	[sflag:s11] =	ssyncset.done $0x0  }
0xba: {  	s19 =	sadd.s32 $0x118, s18;
	[sflag:s11] =	ssyncadd.s32 $0xFFFFEC00  }
0xbb: {  	[tilespmem:s25], [sflag:$0x3] =	stream.indirect.gather [hbm4b:s1+s30], $0x80, s19, s30, $0xb8;
	[tilespmem:$0x1F300] =	vst v63  }
0xbc: {  	_ =	swait.ge [sflag:s12], $0x1400  }
0xbd: {  	[sflag:s12] =	ssyncset.done $0x0  }
0xbe: {  	s19 =	sadd.s32 $0x27F8, s18;
	[sflag:s12] =	ssyncadd.s32 $0xFFFFEC00  }
0xbf: {  	[spmem:s2] =	stream.indirect.scatter.add.f32 [tilespmem:s0], [sflag:$0x9], $0x80, s19, s30, $0xb8;
	[tilespmem:$0x1F300] =	vst v63  }
0xc0: {  	_ =	swait.ge [sflag:s13], $0x1400  }
0xc1: {  	[sflag:s13] =	ssyncset.done $0x0  }
0xc2: {  	s19 =	sadd.s32 $0x140, s18;
	[sflag:s13] =	ssyncadd.s32 $0xFFFFEC00  }
0xc3: {  	[tilespmem:s0], [sflag:$0x4] =	stream.indirect.gather [hbm4b:s1+s30], $0x80, s19, s30, $0xb8;
	[tilespmem:$0x1F300] =	vst v63  }
0xc4: {  	_ =	swait.ge [sflag:s14], $0x1400  }
0xc5: {  	[sflag:s14] =	ssyncset.done $0x0  }
.Ltmp1:
0xc6: {  	s19 =	sadd.s32 $0x2820, s18;
	[sflag:s14] =	ssyncadd.s32 $0xFFFFEC00;
	(pc) =	sbr.rel @p0 .LBB2_4-.Ltmp1, $4  }
0xc7: {  	[spmem:s2] =	stream.indirect.scatter.add.f32 [tilespmem:s3], [sflag:$0xA], $0x80, s19, s30, $0xb8;
	[tilespmem:$0x1F300] =	vst v63  }
0xc8: {  	_ =	swait.ge [sflag:s15], $0x1400  }
0xc9: {  	[sflag:s15] =	ssyncset.done $0x0  }
0xca: {  	s18 =	sadd.s32 $0x168, s18;
	[sflag:s15] =	ssyncadd.s32 $0xFFFFEC00  }
0xcb: {  	[tilespmem:s3], [sflag:$0x5] =	stream.indirect.gather [hbm4b:s1+s30], $0x80, s18, s30, $0xb8;
	[tilespmem:$0x1F300] =	vst v63  }
0xcc: {  	_ =	swait.ge [sflag:s5], $0x1400  }
0xcd: {  	[sflag:s5] =	ssyncset.done $0x0  }
0xce: {  	s17 =	simm.s32 $0x4DC8;
	[sflag:s5] =	ssyncadd.s32 $0xFFFFEC00  }
0xcf: {  	[spmem:s2] =	stream.indirect.scatter.add.f32 [tilespmem:s26], [sflag:$0x6], $0x80, s17, s30, $0xb8;
	[tilespmem:$0x1F300] =	vst v63  }
0xd0: {  	_ =	swait.ge [sflag:s8], $0x1400  }
0xd1: {  	[sflag:s8] =	ssyncset.done $0x0  }
0xd2: {  	s18 =	simm.s32 $0x4DF0;
	[sflag:s8] =	ssyncadd.s32 $0xFFFFEC00  }
0xd3: {  	[spmem:s2] =	stream.indirect.scatter.add.f32 [tilespmem:s31], [sflag:$0x7], $0x80, s18, s30, $0xb8;
	[tilespmem:$0x1F300] =	vst v63  }
0xd4: {  	_ =	swait.ge [sflag:s10], $0x1400  }
0xd5: {  	[sflag:s10] =	ssyncset.done $0x0  }
0xd6: {  	s19 =	simm.s32 $0x4E18;
	[sflag:s10] =	ssyncadd.s32 $0xFFFFEC00  }
0xd7: {  	[spmem:s2] =	stream.indirect.scatter.add.f32 [tilespmem:s25], [sflag:$0x8], $0x80, s19, s30, $0xb8;
	[tilespmem:$0x1F300] =	vst v63  }
0xd8: {  	_ =	swait.ge [sflag:s12], $0x1400  }
0xd9: {  	[sflag:s12] =	ssyncset.done $0x0  }
0xda: {  	s20 =	simm.s32 $0x4E40;
	[sflag:s12] =	ssyncadd.s32 $0xFFFFEC00  }
0xdb: {  	[spmem:s2] =	stream.indirect.scatter.add.f32 [tilespmem:s0], [sflag:$0x9], $0x80, s20, s30, $0xb8;
	[tilespmem:$0x1F300] =	vst v63  }
0xdc: {  	_ =	swait.ge [sflag:s14], $0x1400  }
0xdd: {  	[sflag:s14] =	ssyncset.done $0x0  }
0xde: {  	s18 =	simm.s32 $0x4E68;
	[sflag:s14] =	ssyncadd.s32 $0xFFFFEC00  }
0xdf: {  	[spmem:s2] =	stream.indirect.scatter.add.f32 [tilespmem:s3], [sflag:$0xA], $0x80, s18, s30, $0xb8;
	[tilespmem:$0x1F300] =	vst v63  }
0xe0: {  	_ =	swait.ge [sflag:s6], $0x1400  }
0xe1: {  	[sflag:s6] =	ssyncset.done $0x0  }
0xe2: {  	[sflag:s6] =	ssyncadd.s32 $0xFFFFEC00  }
0xe3: {  	_ =	swait.ge [sflag:s9], $0x1400  }
0xe4: {  	[sflag:s9] =	ssyncset.done $0x0  }
0xe5: {  	[sflag:s9] =	ssyncadd.s32 $0xFFFFEC00  }
0xe6: {  	_ =	swait.ge [sflag:s11], $0x1400  }
0xe7: {  	[sflag:s11] =	ssyncset.done $0x0  }
0xe8: {  	[sflag:s11] =	ssyncadd.s32 $0xFFFFEC00  }
0xe9: {  	_ =	swait.ge [sflag:s13], $0x1400  }
0xea: {  	[sflag:s13] =	ssyncset.done $0x0  }
0xeb: {  	[sflag:s13] =	ssyncadd.s32 $0xFFFFEC00  }
0xec: {  	s19 =	stileid.u32;
	_ =	swait.ge [sflag:s15], $0x1400  }
0xed: {  	s16 =	sadd.s32 $0x1, s16;
	s17 =	sshll.u32 s19, $0x6;
	[sflag:s15] =	ssyncset.done $0x0  }
0xee: {  	p0 =	sne.s32 s16, s24;
	s17 =	sor.u32 $0x1C0C, s17;
	[sflag:s15] =	ssyncadd.s32 $0xFFFFEC00  }
.Ltmp2:
0xef: {  	s20 =	sshrl.u32 s7, $0x3;
	[bflag:$0x0] =	sbarrier.arrive $0xFFFF;
	(pc) =	sbr.rel @p0 .LBB2_1-.Ltmp2, $4  }
0xf0: {  	[hbm:s23], [sflag:s17] =	dma.local [spmem:s20], $0x2800  }
0xf1: {  	_ =	swait.ge [sflag:s28], $0x2800  }
0xf2: {  	[sflag:s28] =	ssyncset.done $0x0  }
0xf3: {  	[sflag:s28] =	ssyncadd.s32 $0xFFFFD800  }
0xf4: {  	_ =	sfence.sel $0x180000  }
0xf5: {  	[bflag:$0x0] =	sbarrier.arrive $0xFFFF  }
0xf6: {  	_ =	strace $0x90000047  }
0xf7: {  	s0 =	stileid.u32;
	[bflag:$0x2] =	sbarrier.arrive $0xFFFF  }
0xf8: {  	p0 =	sne.s32 s0, $0x0;
	s0 =	rddreg [dreg:$0x4]  }
0xf9: {  	s0 =	sadd.s32 @!p0 $0x100000, s0  }
0xfa: {  	[sflag:s0] =	ssyncadd.tile.s32 @!p0 $0x1;
	_ =	shalt  }
.Lfunc_end2:
_tile_overlayer_lowered:
.L_overlay_start_2:
0xfb: {  	(tag) =	ssettag $0x2  }
0xfc: {  	s0 =	rddreg [dreg:$0x0];
	s2 =	stileid.u32  }
0xfd: {  	s1 =	rddreg [dreg:$0x1];
	p0 =	sne.s32 s2, $0x0  }
0xfe: {  	s3 =	rddreg [dreg:$0x2];
	[bflag:$0x3] =	sbarrier.arrive $0xFFFF;
	s2 =	simm.s32 @!p0 $0x1C0C  }
0xff: {  	[timem:s3], [sflag:s2] =	dma.local @!p0 [hbm:s0], s1  }
0x100: {  	s0 =	simm.s32 @!p0 $0xC  }
0x101: {  	_ =	swait.ge @!p0 [sflag:s0], s1  }
0x102: {  	s1 =	ssub.s32 @!p0 $0x0, s1;
	[sflag:s0] =	ssyncset.done @!p0 $0x0  }
0x103: {  	[sflag:s0] =	ssyncadd.s32 @!p0 s1  }
0x104: {  	[bflag:$0x3] =	sbarrier.arrive $0xFFFF  }
0x105: {  	_ =	shalt  }

</sc_bundles>
